<compile_context>
chip_gen: v7x
topology: tpu7x:2x2x1
jax: 0.10.2.dev20260603
libtpu: 0.0.44.dev20260713+nightly
codegen_flags: <defaults>
</compile_context>

<pallas_src>
import functools

import jax
import jax.numpy as jnp
from jax import lax
from jax.experimental import pallas as pl
from jax.experimental.pallas import tpu as pltpu
from jax.experimental.pallas import tpu_sc as plsc

N_NODES = 10000
N_EDGES = 320000
D = 128

NC = 2
NS = 16
NW = NC * NS
EDGES_PER_W = N_EDGES // NW
CHUNK = 80
NCHUNK = EDGES_PER_W // CHUNK
ROWS_MAIN = 624
ROWS_TAIL = N_NODES - NS * ROWS_MAIN


def _sc_body(feat_hbm, src_hbm, dst_hbm, agg_out, cnt_out,
             src_v, dst_v, rows_v, acc, sem):
    c = lax.axis_index("c")
    s = lax.axis_index("s")
    wid = s * NC + c
    row0 = s * ROWS_MAIN
    ebase0 = wid * EDGES_PER_W
    nfull = ROWS_MAIN // CHUNK
    rem = ROWS_MAIN - nfull * CHUNK

    def _fill_rows(val16):
        def _frow(r, carry):
            for cc in range(D // 16):
                rows_v[r, pl.ds(cc * 16, 16)] = val16
            return carry
        lax.fori_loop(0, CHUNK, _frow, 0)

    def _zero_acc():
        for k in range(nfull):
            pltpu.sync_copy(rows_v, acc.at[pl.ds(row0 + k * CHUNK, CHUNK)])
        pltpu.sync_copy(rows_v.at[pl.ds(0, rem)],
                        acc.at[pl.ds(row0 + nfull * CHUNK, rem)])

        @pl.when(s == NS - 1)
        def _zero_tail():
            pltpu.sync_copy(rows_v.at[pl.ds(0, ROWS_TAIL)],
                            acc.at[pl.ds(NS * ROWS_MAIN, ROWS_TAIL)])

    def _dump_acc(out):
        pltpu.sync_copy(acc.at[pl.ds(row0, ROWS_MAIN)],
                        out.at[c, pl.ds(row0, ROWS_MAIN)])

        @pl.when(s == NS - 1)
        def _dump_tail():
            pltpu.sync_copy(acc.at[pl.ds(NS * ROWS_MAIN, ROWS_TAIL)],
                            out.at[c, pl.ds(NS * ROWS_MAIN, ROWS_TAIL)])

    _fill_rows(jnp.zeros((16,), jnp.float32))
    _zero_acc()
    plsc.subcore_barrier()

    def _chunk1(ch, carry):
        ebase = ebase0 + ch * CHUNK
        pltpu.sync_copy(src_hbm.at[pl.ds(ebase, CHUNK)], src_v)
        pltpu.sync_copy(dst_hbm.at[pl.ds(ebase, CHUNK)], dst_v)
        pltpu.async_copy(feat_hbm.at[src_v], rows_v, sem).wait()
        pltpu.sync_copy(rows_v, acc.at[dst_v], add=True)
        return carry
    lax.fori_loop(0, NCHUNK, _chunk1, 0)

    plsc.subcore_barrier()
    _dump_acc(agg_out)
    plsc.subcore_barrier()

    _fill_rows(jnp.zeros((16,), jnp.float32))
    _zero_acc()
    plsc.subcore_barrier()
    _fill_rows(jnp.ones((16,), jnp.float32))

    def _chunk2(ch, carry):
        ebase = ebase0 + ch * CHUNK
        pltpu.sync_copy(dst_hbm.at[pl.ds(ebase, CHUNK)], dst_v)
        pltpu.sync_copy(rows_v, acc.at[dst_v], add=True)
        return carry
    lax.fori_loop(0, NCHUNK, _chunk2, 0)

    plsc.subcore_barrier()
    _dump_acc(cnt_out)


@jax.jit
def _sc_segment(feature, src, dst):
    mesh = plsc.VectorSubcoreMesh(core_axis_name="c", subcore_axis_name="s")
    kfn = pl.kernel(
        _sc_body,
        out_type=[
            jax.ShapeDtypeStruct((NC, N_NODES, D), jnp.float32),
            jax.ShapeDtypeStruct((NC, N_NODES, D), jnp.float32),
        ],
        mesh=mesh,
        scratch_types=[
            pltpu.VMEM((CHUNK,), jnp.int32),
            pltpu.VMEM((CHUNK,), jnp.int32),
            pltpu.VMEM((CHUNK, D), jnp.float32),
            pltpu.VMEM_SHARED((N_NODES, D), jnp.float32),
            pltpu.SemaphoreType.DMA,
        ],
    )
    return kfn(feature, src, dst)


def _tc_finalize_body(feat_ref, agg_ref, cnt_ref, w_ref, b_ref, out_ref):
    agg = agg_ref[0] + agg_ref[1]
    cnt = jnp.maximum(cnt_ref[0, :, 0] + cnt_ref[1, :, 0], 1.0)
    mean = agg / cnt[:, None]
    h = lax.dot_general(mean, w_ref[...], (((1,), (1,)), ((), ())),
                        preferred_element_type=jnp.float32,
                        precision=lax.Precision.HIGHEST)
    out_ref[...] = feat_ref[...] + h + b_ref[...]


@jax.jit
def _tc_finalize(feature, agg2, cnt2, W, b2d):
    R = 1000
    grid = (N_NODES // R,)
    return pl.pallas_call(
        _tc_finalize_body,
        grid=grid,
        in_specs=[
            pl.BlockSpec((R, D), lambda i: (i, 0)),
            pl.BlockSpec((NC, R, D), lambda i: (0, i, 0)),
            pl.BlockSpec((NC, R, D), lambda i: (0, i, 0)),
            pl.BlockSpec((D, D), lambda i: (0, 0)),
            pl.BlockSpec((1, D), lambda i: (0, 0)),
        ],
        out_specs=pl.BlockSpec((R, D), lambda i: (i, 0)),
        out_shape=jax.ShapeDtypeStruct((N_NODES, D), jnp.float32),
    )(feature, agg2, cnt2, W, b2d)


def kernel(feature, edge_index, e, W, b):
    agg2, cnt2 = _sc_segment(feature, edge_index[0], edge_index[1])
    h = _tc_finalize(feature, agg2, cnt2, W, b.reshape(1, D))
    return h, e

# --- scband reference (transcript-rebuilt; emitter-appended) ---
"""Pipeline reference for scband-gcnlayer-3255585210595 (READ-ONLY COPY).

The authoritative reference and input builder live on the scoring server;
editing this copy changes nothing except your own understanding.
"""

import jax, jax.numpy as jnp
import numpy as np

N_NODES = 10000
N_EDGES = 320000
D = 128


def setup_inputs(seed: int = 0) -> dict:
    key = jax.random.key(seed)
    k1, k2, k3, k4 = jax.random.split(key, 4)
    feature = jax.random.normal(k1, (N_NODES, D), dtype=jnp.float32)
    edge_index = jax.random.randint(k2, (2, N_EDGES), 0, N_NODES, dtype=jnp.int32)
    e = jax.random.normal(k3, (N_EDGES, D), dtype=jnp.float32)
    # NodeApplyModule linear params (in_dim=128, out_dim=128)
    W = jax.random.normal(k4, (D, D), dtype=jnp.float32) * 0.05
    b = jnp.zeros((D,), dtype=jnp.float32)
    return {"feature": feature, "edge_index": edge_index, "e": e, "W": W, "b": b}


def reference(feature, edge_index, e, W, b):
    # GCNLayer with dgl_builtin=False, e_feat=False:
    #   message: copy_u('h') ; reduce: mean -> h_v = mean_{u in in-neigh(v)} h_u
    #   apply_nodes: h = Linear(h)
    # batch_norm=False, activation=None, residual=True (in_dim==out_dim), dropout p=0.0 (identity in eval)
    src = edge_index[0]
    dst = edge_index[1]
    msg = jnp.take(feature, src, axis=0)                      # gather [E, D]
    agg = jax.ops.segment_sum(msg, dst, num_segments=N_NODES) # scatter-add [N, D]
    cnt = jax.ops.segment_sum(jnp.ones((N_EDGES,), jnp.float32), dst, num_segments=N_NODES)
    cnt = jnp.maximum(cnt, 1.0)
    h = agg / cnt[:, None]                                    # mean reduce
    h = h @ W.T + b                                           # NodeApplyModule linear
    h = feature + h                                           # residual
    # e passes through unchanged (no batchnorm/activation, dropout p=0)
    return (h, e)

if __name__ == "__main__":
    import jax
    _d = setup_inputs()
    print(jax.jit(kernel)(*tuple(_d.values())))

</pallas_src>

<mosaic_0001>
#map = affine_map<(d0, d1) -> (0, 0)>
#map1 = affine_map<(d0, d1) -> (0)>
#map2 = affine_map<(d0, d1) -> (0, 0, 0)>
module attributes {stable_mosaic.version = 14 : i64} {
  func.func @_sc_body(%arg0: i32, %arg1: i32, %arg2: memref<10000x128xf32, #tpu.memory_space<hbm>>, %arg3: memref<320000xi32, #tpu.memory_space<hbm>>, %arg4: memref<320000xi32, #tpu.memory_space<hbm>>, %arg5: memref<2x10000x128xf32, #tpu.memory_space<hbm>>, %arg6: memref<2x10000x128xf32, #tpu.memory_space<hbm>>, %arg7: memref<80xi32, #tpu.memory_space<vmem>>, %arg8: memref<80xi32, #tpu.memory_space<vmem>>, %arg9: memref<80x128xf32, #tpu.memory_space<vmem>>, %arg10: memref<10000x128xf32, #tpu.memory_space<vmem_shared>>, %arg11: memref<!tpu.dma_semaphore, #tpu.memory_space<semaphore_mem>>) attributes {dimension_semantics = [#tpu.dimension_semantics<core_parallel>, #tpu.dimension_semantics<subcore_parallel>], iteration_bounds = array<i64: 2, 16>, scalar_prefetch = 0 : i64, scratch_operands = 5 : i64, tpu.core_type = #tpu.core_type<sc_vector_subcore>, window_params = [{transform_indices = #map}, {transform_indices = #map1}, {transform_indices = #map1}, {transform_indices = #map2}, {transform_indices = #map2}]} {
    %mul3A = arith.constant 2 : i32
    %mul3A_0 = arith.muli %arg1, %mul3A : i32
    %add3A = arith.addi %mul3A_0, %arg0 : i32
    %mul3A_1 = arith.constant 624 : i32
    %mul3A_2 = arith.muli %arg1, %mul3A_1 : i32
    %mul3A_3 = arith.constant 10000 : i32
    %mul3A_4 = arith.muli %add3A, %mul3A_3 : i32
    %broadcast_in_dim3A = arith.constant 0.000000e+00 : f32
    %broadcast_in_dim3A_5 = vector.broadcast %broadcast_in_dim3A : f32 to vector<16xf32>
    %scan3A = arith.constant 0 : i32
    %scan3A_6 = arith.constant 0 : i32
    %scan3A_7 = arith.constant 80 : i32
    %scan3A_8 = arith.addi %scan3A_6, %scan3A_7 : i32
    %scan3A_9 = arith.constant 1 : i32
    scf.for %scan3A_92 = %scan3A_6 to %scan3A_8 step %scan3A_9  : i32 {
      %swap3A = arith.index_cast %scan3A_92 : i32 to index
      %swap3A_93 = arith.constant 0 : index
      %swap3A_94 = tpu.vector_load %arg9[%swap3A, %swap3A_93] {strides = array<i32>} : memref<80x128xf32, #tpu.memory_space<vmem>>, vector<1x16xf32>,
      %swap3A_95 = vector.shape_cast %swap3A_94 : vector<1x16xf32> to vector<16xf32>
      %swap3A_96 = vector.shape_cast %broadcast_in_dim3A_5 : vector<16xf32> to vector<1x16xf32>
      tpu.vector_store %arg9[%swap3A, %swap3A_93], %swap3A_96 {strides = array<i32>} : memref<80x128xf32, #tpu.memory_space<vmem>>, vector<1x16xf32>,
      %swap3A_97 = arith.index_cast %scan3A_92 : i32 to index
      %swap3A_98 = arith.constant 16 : index
      %swap3A_99 = tpu.vector_load %arg9[%swap3A_97, %swap3A_98] {strides = array<i32>} : memref<80x128xf32, #tpu.memory_space<vmem>>, vector<1x16xf32>,
      %swap3A_100 = vector.shape_cast %swap3A_99 : vector<1x16xf32> to vector<16xf32>
      %swap3A_101 = vector.shape_cast %broadcast_in_dim3A_5 : vector<16xf32> to vector<1x16xf32>
      tpu.vector_store %arg9[%swap3A_97, %swap3A_98], %swap3A_101 {strides = array<i32>} : memref<80x128xf32, #tpu.memory_space<vmem>>, vector<1x16xf32>,
      %swap3A_102 = arith.index_cast %scan3A_92 : i32 to index
      %swap3A_103 = arith.constant 32 : index
      %swap3A_104 = tpu.vector_load %arg9[%swap3A_102, %swap3A_103] {strides = array<i32>} : memref<80x128xf32, #tpu.memory_space<vmem>>, vector<1x16xf32>,
      %swap3A_105 = vector.shape_cast %swap3A_104 : vector<1x16xf32> to vector<16xf32>
      %swap3A_106 = vector.shape_cast %broadcast_in_dim3A_5 : vector<16xf32> to vector<1x16xf32>
      tpu.vector_store %arg9[%swap3A_102, %swap3A_103], %swap3A_106 {strides = array<i32>} : memref<80x128xf32, #tpu.memory_space<vmem>>, vector<1x16xf32>,
      %swap3A_107 = arith.index_cast %scan3A_92 : i32 to index
      %swap3A_108 = arith.constant 48 : index
      %swap3A_109 = tpu.vector_load %arg9[%swap3A_107, %swap3A_108] {strides = array<i32>} : memref<80x128xf32, #tpu.memory_space<vmem>>, vector<1x16xf32>,
      %swap3A_110 = vector.shape_cast %swap3A_109 : vector<1x16xf32> to vector<16xf32>
      %swap3A_111 = vector.shape_cast %broadcast_in_dim3A_5 : vector<16xf32> to vector<1x16xf32>
      tpu.vector_store %arg9[%swap3A_107, %swap3A_108], %swap3A_111 {strides = array<i32>} : memref<80x128xf32, #tpu.memory_space<vmem>>, vector<1x16xf32>,
      %swap3A_112 = arith.index_cast %scan3A_92 : i32 to index
      %swap3A_113 = arith.constant 64 : index
      %swap3A_114 = tpu.vector_load %arg9[%swap3A_112, %swap3A_113] {strides = array<i32>} : memref<80x128xf32, #tpu.memory_space<vmem>>, vector<1x16xf32>,
      %swap3A_115 = vector.shape_cast %swap3A_114 : vector<1x16xf32> to vector<16xf32>
      %swap3A_116 = vector.shape_cast %broadcast_in_dim3A_5 : vector<16xf32> to vector<1x16xf32>
      tpu.vector_store %arg9[%swap3A_112, %swap3A_113], %swap3A_116 {strides = array<i32>} : memref<80x128xf32, #tpu.memory_space<vmem>>, vector<1x16xf32>,
      %swap3A_117 = arith.index_cast %scan3A_92 : i32 to index
      %swap3A_118 = arith.constant 80 : index
      %swap3A_119 = tpu.vector_load %arg9[%swap3A_117, %swap3A_118] {strides = array<i32>} : memref<80x128xf32, #tpu.memory_space<vmem>>, vector<1x16xf32>,
      %swap3A_120 = vector.shape_cast %swap3A_119 : vector<1x16xf32> to vector<16xf32>
      %swap3A_121 = vector.shape_cast %broadcast_in_dim3A_5 : vector<16xf32> to vector<1x16xf32>
      tpu.vector_store %arg9[%swap3A_117, %swap3A_118], %swap3A_121 {strides = array<i32>} : memref<80x128xf32, #tpu.memory_space<vmem>>, vector<1x16xf32>,
      %swap3A_122 = arith.index_cast %scan3A_92 : i32 to index
      %swap3A_123 = arith.constant 96 : index
      %swap3A_124 = tpu.vector_load %arg9[%swap3A_122, %swap3A_123] {strides = array<i32>} : memref<80x128xf32, #tpu.memory_space<vmem>>, vector<1x16xf32>,
      %swap3A_125 = vector.shape_cast %swap3A_124 : vector<1x16xf32> to vector<16xf32>
      %swap3A_126 = vector.shape_cast %broadcast_in_dim3A_5 : vector<16xf32> to vector<1x16xf32>
      tpu.vector_store %arg9[%swap3A_122, %swap3A_123], %swap3A_126 {strides = array<i32>} : memref<80x128xf32, #tpu.memory_space<vmem>>, vector<1x16xf32>,
      %swap3A_127 = arith.index_cast %scan3A_92 : i32 to index
      %swap3A_128 = arith.constant 112 : index
      %swap3A_129 = tpu.vector_load %arg9[%swap3A_127, %swap3A_128] {strides = array<i32>} : memref<80x128xf32, #tpu.memory_space<vmem>>, vector<1x16xf32>,
      %swap3A_130 = vector.shape_cast %swap3A_129 : vector<1x16xf32> to vector<16xf32>
      %swap3A_131 = vector.shape_cast %broadcast_in_dim3A_5 : vector<16xf32> to vector<1x16xf32>
      tpu.vector_store %arg9[%swap3A_127, %swap3A_128], %swap3A_131 {strides = array<i32>} : memref<80x128xf32, #tpu.memory_space<vmem>>, vector<1x16xf32>,
    }
    %scan3A_10 = arith.constant 80 : i32
    %add3A_11 = arith.constant 0 : i32
    %add3A_12 = arith.addi %mul3A_2, %add3A_11 : i32
    "tpu.region"() ({
      %run_scoped3A = tpu.sem_alloc : memref<!tpu.dma_semaphore, #tpu.memory_space<semaphore_mem>>
      %dma_start3A = arith.constant 0 : i32
      %dma_start3A_92 = tpu.memref_slice %arg10[%add3A_12, %dma_start3A] : memref<10000x128xf32, #tpu.memory_space<vmem_shared>> -> memref<80x128xf32, #tpu.memory_space<vmem_shared>>
      %dma_start3A_93 = arith.constant 0 : i32
      %dma_start3A_94 = tpu.memref_slice %arg10[%add3A_12, %dma_start3A_93] : memref<10000x128xf32, #tpu.memory_space<vmem_shared>> -> memref<80x128xf32, #tpu.memory_space<vmem_shared>>
      tpu.enqueue_dma source(%arg9 : memref<80x128xf32, #tpu.memory_space<vmem>>) target(%dma_start3A_94 : memref<80x128xf32, #tpu.memory_space<vmem_shared>>) target_semaphore(%run_scoped3A : memref<!tpu.dma_semaphore, #tpu.memory_space<semaphore_mem>>)
      %dma_wait3A = arith.constant 0 : i32
      %dma_wait3A_95 = tpu.memref_slice %arg10[%add3A_12, %dma_wait3A] : memref<10000x128xf32, #tpu.memory_space<vmem_shared>> -> memref<80x128xf32, #tpu.memory_space<vmem_shared>>
      %dma_wait3A_96 = arith.constant 0 : i32
      %dma_wait3A_97 = tpu.memref_slice %arg10[%add3A_12, %dma_wait3A_96] : memref<10000x128xf32, #tpu.memory_space<vmem_shared>> -> memref<80x128xf32, #tpu.memory_space<vmem_shared>>
      tpu.wait_dma2 semaphore(%run_scoped3A : memref<!tpu.dma_semaphore, #tpu.memory_space<semaphore_mem>>) src(%arg9 : memref<80x128xf32, #tpu.memory_space<vmem>>) dst(%dma_wait3A_97 : memref<80x128xf32, #tpu.memory_space<vmem_shared>>)
      tpu.yield
    }) : () -> ()
    %add3A_13 = arith.constant 80 : i32
    %add3A_14 = arith.addi %mul3A_2, %add3A_13 : i32
    "tpu.region"() ({
      %run_scoped3A = tpu.sem_alloc : memref<!tpu.dma_semaphore, #tpu.memory_space<semaphore_mem>>
      %dma_start3A = arith.constant 0 : i32
      %dma_start3A_92 = tpu.memref_slice %arg10[%add3A_14, %dma_start3A] : memref<10000x128xf32, #tpu.memory_space<vmem_shared>> -> memref<80x128xf32, #tpu.memory_space<vmem_shared>>
      %dma_start3A_93 = arith.constant 0 : i32
      %dma_start3A_94 = tpu.memref_slice %arg10[%add3A_14, %dma_start3A_93] : memref<10000x128xf32, #tpu.memory_space<vmem_shared>> -> memref<80x128xf32, #tpu.memory_space<vmem_shared>>
      tpu.enqueue_dma source(%arg9 : memref<80x128xf32, #tpu.memory_space<vmem>>) target(%dma_start3A_94 : memref<80x128xf32, #tpu.memory_space<vmem_shared>>) target_semaphore(%run_scoped3A : memref<!tpu.dma_semaphore, #tpu.memory_space<semaphore_mem>>)
      %dma_wait3A = arith.constant 0 : i32
      %dma_wait3A_95 = tpu.memref_slice %arg10[%add3A_14, %dma_wait3A] : memref<10000x128xf32, #tpu.memory_space<vmem_shared>> -> memref<80x128xf32, #tpu.memory_space<vmem_shared>>
      %dma_wait3A_96 = arith.constant 0 : i32
      %dma_wait3A_97 = tpu.memref_slice %arg10[%add3A_14, %dma_wait3A_96] : memref<10000x128xf32, #tpu.memory_space<vmem_shared>> -> memref<80x128xf32, #tpu.memory_space<vmem_shared>>
      tpu.wait_dma2 semaphore(%run_scoped3A : memref<!tpu.dma_semaphore, #tpu.memory_space<semaphore_mem>>) src(%arg9 : memref<80x128xf32, #tpu.memory_space<vmem>>) dst(%dma_wait3A_97 : memref<80x128xf32, #tpu.memory_space<vmem_shared>>)
      tpu.yield
    }) : () -> ()
    %add3A_15 = arith.constant 160 : i32
    %add3A_16 = arith.addi %mul3A_2, %add3A_15 : i32
    "tpu.region"() ({
      %run_scoped3A = tpu.sem_alloc : memref<!tpu.dma_semaphore, #tpu.memory_space<semaphore_mem>>
      %dma_start3A = arith.constant 0 : i32
      %dma_start3A_92 = tpu.memref_slice %arg10[%add3A_16, %dma_start3A] : memref<10000x128xf32, #tpu.memory_space<vmem_shared>> -> memref<80x128xf32, #tpu.memory_space<vmem_shared>>
      %dma_start3A_93 = arith.constant 0 : i32
      %dma_start3A_94 = tpu.memref_slice %arg10[%add3A_16, %dma_start3A_93] : memref<10000x128xf32, #tpu.memory_space<vmem_shared>> -> memref<80x128xf32, #tpu.memory_space<vmem_shared>>
      tpu.enqueue_dma source(%arg9 : memref<80x128xf32, #tpu.memory_space<vmem>>) target(%dma_start3A_94 : memref<80x128xf32, #tpu.memory_space<vmem_shared>>) target_semaphore(%run_scoped3A : memref<!tpu.dma_semaphore, #tpu.memory_space<semaphore_mem>>)
      %dma_wait3A = arith.constant 0 : i32
      %dma_wait3A_95 = tpu.memref_slice %arg10[%add3A_16, %dma_wait3A] : memref<10000x128xf32, #tpu.memory_space<vmem_shared>> -> memref<80x128xf32, #tpu.memory_space<vmem_shared>>
      %dma_wait3A_96 = arith.constant 0 : i32
      %dma_wait3A_97 = tpu.memref_slice %arg10[%add3A_16, %dma_wait3A_96] : memref<10000x128xf32, #tpu.memory_space<vmem_shared>> -> memref<80x128xf32, #tpu.memory_space<vmem_shared>>
      tpu.wait_dma2 semaphore(%run_scoped3A : memref<!tpu.dma_semaphore, #tpu.memory_space<semaphore_mem>>) src(%arg9 : memref<80x128xf32, #tpu.memory_space<vmem>>) dst(%dma_wait3A_97 : memref<80x128xf32, #tpu.memory_space<vmem_shared>>)
      tpu.yield
    }) : () -> ()
    %add3A_17 = arith.constant 240 : i32
    %add3A_18 = arith.addi %mul3A_2, %add3A_17 : i32
    "tpu.region"() ({
      %run_scoped3A = tpu.sem_alloc : memref<!tpu.dma_semaphore, #tpu.memory_space<semaphore_mem>>
      %dma_start3A = arith.constant 0 : i32
      %dma_start3A_92 = tpu.memref_slice %arg10[%add3A_18, %dma_start3A] : memref<10000x128xf32, #tpu.memory_space<vmem_shared>> -> memref<80x128xf32, #tpu.memory_space<vmem_shared>>
      %dma_start3A_93 = arith.constant 0 : i32
      %dma_start3A_94 = tpu.memref_slice %arg10[%add3A_18, %dma_start3A_93] : memref<10000x128xf32, #tpu.memory_space<vmem_shared>> -> memref<80x128xf32, #tpu.memory_space<vmem_shared>>
      tpu.enqueue_dma source(%arg9 : memref<80x128xf32, #tpu.memory_space<vmem>>) target(%dma_start3A_94 : memref<80x128xf32, #tpu.memory_space<vmem_shared>>) target_semaphore(%run_scoped3A : memref<!tpu.dma_semaphore, #tpu.memory_space<semaphore_mem>>)
      %dma_wait3A = arith.constant 0 : i32
      %dma_wait3A_95 = tpu.memref_slice %arg10[%add3A_18, %dma_wait3A] : memref<10000x128xf32, #tpu.memory_space<vmem_shared>> -> memref<80x128xf32, #tpu.memory_space<vmem_shared>>
      %dma_wait3A_96 = arith.constant 0 : i32
      %dma_wait3A_97 = tpu.memref_slice %arg10[%add3A_18, %dma_wait3A_96] : memref<10000x128xf32, #tpu.memory_space<vmem_shared>> -> memref<80x128xf32, #tpu.memory_space<vmem_shared>>
      tpu.wait_dma2 semaphore(%run_scoped3A : memref<!tpu.dma_semaphore, #tpu.memory_space<semaphore_mem>>) src(%arg9 : memref<80x128xf32, #tpu.memory_space<vmem>>) dst(%dma_wait3A_97 : memref<80x128xf32, #tpu.memory_space<vmem_shared>>)
      tpu.yield
    }) : () -> ()
    %add3A_19 = arith.constant 320 : i32
    %add3A_20 = arith.addi %mul3A_2, %add3A_19 : i32
    "tpu.region"() ({
      %run_scoped3A = tpu.sem_alloc : memref<!tpu.dma_semaphore, #tpu.memory_space<semaphore_mem>>
      %dma_start3A = arith.constant 0 : i32
      %dma_start3A_92 = tpu.memref_slice %arg10[%add3A_20, %dma_start3A] : memref<10000x128xf32, #tpu.memory_space<vmem_shared>> -> memref<80x128xf32, #tpu.memory_space<vmem_shared>>
      %dma_start3A_93 = arith.constant 0 : i32
      %dma_start3A_94 = tpu.memref_slice %arg10[%add3A_20, %dma_start3A_93] : memref<10000x128xf32, #tpu.memory_space<vmem_shared>> -> memref<80x128xf32, #tpu.memory_space<vmem_shared>>
      tpu.enqueue_dma source(%arg9 : memref<80x128xf32, #tpu.memory_space<vmem>>) target(%dma_start3A_94 : memref<80x128xf32, #tpu.memory_space<vmem_shared>>) target_semaphore(%run_scoped3A : memref<!tpu.dma_semaphore, #tpu.memory_space<semaphore_mem>>)
      %dma_wait3A = arith.constant 0 : i32
      %dma_wait3A_95 = tpu.memref_slice %arg10[%add3A_20, %dma_wait3A] : memref<10000x128xf32, #tpu.memory_space<vmem_shared>> -> memref<80x128xf32, #tpu.memory_space<vmem_shared>>
      %dma_wait3A_96 = arith.constant 0 : i32
      %dma_wait3A_97 = tpu.memref_slice %arg10[%add3A_20, %dma_wait3A_96] : memref<10000x128xf32, #tpu.memory_space<vmem_shared>> -> memref<80x128xf32, #tpu.memory_space<vmem_shared>>
      tpu.wait_dma2 semaphore(%run_scoped3A : memref<!tpu.dma_semaphore, #tpu.memory_space<semaphore_mem>>) src(%arg9 : memref<80x128xf32, #tpu.memory_space<vmem>>) dst(%dma_wait3A_97 : memref<80x128xf32, #tpu.memory_space<vmem_shared>>)
      tpu.yield
    }) : () -> ()
    %add3A_21 = arith.constant 400 : i32
    %add3A_22 = arith.addi %mul3A_2, %add3A_21 : i32
    "tpu.region"() ({
      %run_scoped3A = tpu.sem_alloc : memref<!tpu.dma_semaphore, #tpu.memory_space<semaphore_mem>>
      %dma_start3A = arith.constant 0 : i32
      %dma_start3A_92 = tpu.memref_slice %arg10[%add3A_22, %dma_start3A] : memref<10000x128xf32, #tpu.memory_space<vmem_shared>> -> memref<80x128xf32, #tpu.memory_space<vmem_shared>>
      %dma_start3A_93 = arith.constant 0 : i32
      %dma_start3A_94 = tpu.memref_slice %arg10[%add3A_22, %dma_start3A_93] : memref<10000x128xf32, #tpu.memory_space<vmem_shared>> -> memref<80x128xf32, #tpu.memory_space<vmem_shared>>
      tpu.enqueue_dma source(%arg9 : memref<80x128xf32, #tpu.memory_space<vmem>>) target(%dma_start3A_94 : memref<80x128xf32, #tpu.memory_space<vmem_shared>>) target_semaphore(%run_scoped3A : memref<!tpu.dma_semaphore, #tpu.memory_space<semaphore_mem>>)
      %dma_wait3A = arith.constant 0 : i32
      %dma_wait3A_95 = tpu.memref_slice %arg10[%add3A_22, %dma_wait3A] : memref<10000x128xf32, #tpu.memory_space<vmem_shared>> -> memref<80x128xf32, #tpu.memory_space<vmem_shared>>
      %dma_wait3A_96 = arith.constant 0 : i32
      %dma_wait3A_97 = tpu.memref_slice %arg10[%add3A_22, %dma_wait3A_96] : memref<10000x128xf32, #tpu.memory_space<vmem_shared>> -> memref<80x128xf32, #tpu.memory_space<vmem_shared>>
      tpu.wait_dma2 semaphore(%run_scoped3A : memref<!tpu.dma_semaphore, #tpu.memory_space<semaphore_mem>>) src(%arg9 : memref<80x128xf32, #tpu.memory_space<vmem>>) dst(%dma_wait3A_97 : memref<80x128xf32, #tpu.memory_space<vmem_shared>>)
      tpu.yield
    }) : () -> ()
    %add3A_23 = arith.constant 480 : i32
    %add3A_24 = arith.addi %mul3A_2, %add3A_23 : i32
    "tpu.region"() ({
      %run_scoped3A = tpu.sem_alloc : memref<!tpu.dma_semaphore, #tpu.memory_space<semaphore_mem>>
      %dma_start3A = arith.constant 0 : i32
      %dma_start3A_92 = tpu.memref_slice %arg10[%add3A_24, %dma_start3A] : memref<10000x128xf32, #tpu.memory_space<vmem_shared>> -> memref<80x128xf32, #tpu.memory_space<vmem_shared>>
      %dma_start3A_93 = arith.constant 0 : i32
      %dma_start3A_94 = tpu.memref_slice %arg10[%add3A_24, %dma_start3A_93] : memref<10000x128xf32, #tpu.memory_space<vmem_shared>> -> memref<80x128xf32, #tpu.memory_space<vmem_shared>>
      tpu.enqueue_dma source(%arg9 : memref<80x128xf32, #tpu.memory_space<vmem>>) target(%dma_start3A_94 : memref<80x128xf32, #tpu.memory_space<vmem_shared>>) target_semaphore(%run_scoped3A : memref<!tpu.dma_semaphore, #tpu.memory_space<semaphore_mem>>)
      %dma_wait3A = arith.constant 0 : i32
      %dma_wait3A_95 = tpu.memref_slice %arg10[%add3A_24, %dma_wait3A] : memref<10000x128xf32, #tpu.memory_space<vmem_shared>> -> memref<80x128xf32, #tpu.memory_space<vmem_shared>>
      %dma_wait3A_96 = arith.constant 0 : i32
      %dma_wait3A_97 = tpu.memref_slice %arg10[%add3A_24, %dma_wait3A_96] : memref<10000x128xf32, #tpu.memory_space<vmem_shared>> -> memref<80x128xf32, #tpu.memory_space<vmem_shared>>
      tpu.wait_dma2 semaphore(%run_scoped3A : memref<!tpu.dma_semaphore, #tpu.memory_space<semaphore_mem>>) src(%arg9 : memref<80x128xf32, #tpu.memory_space<vmem>>) dst(%dma_wait3A_97 : memref<80x128xf32, #tpu.memory_space<vmem_shared>>)
      tpu.yield
    }) : () -> ()
    %add3A_25 = arith.constant 560 : i32
    %add3A_26 = arith.addi %mul3A_2, %add3A_25 : i32
    "tpu.region"() ({
      %run_scoped3A = tpu.sem_alloc : memref<!tpu.dma_semaphore, #tpu.memory_space<semaphore_mem>>
      %dma_start3A = arith.constant 0 : i32
      %dma_start3A_92 = arith.constant 0 : i32
      %dma_start3A_93 = tpu.memref_slice %arg9[%dma_start3A, %dma_start3A_92] : memref<80x128xf32, #tpu.memory_space<vmem>> -> memref<64x128xf32, #tpu.memory_space<vmem>>
      %dma_start3A_94 = arith.constant 0 : i32
      %dma_start3A_95 = tpu.memref_slice %arg10[%add3A_26, %dma_start3A_94] : memref<10000x128xf32, #tpu.memory_space<vmem_shared>> -> memref<64x128xf32, #tpu.memory_space<vmem_shared>>
      %dma_start3A_96 = arith.constant 0 : i32
      %dma_start3A_97 = tpu.memref_slice %arg10[%add3A_26, %dma_start3A_96] : memref<10000x128xf32, #tpu.memory_space<vmem_shared>> -> memref<64x128xf32, #tpu.memory_space<vmem_shared>>
      %dma_start3A_98 = arith.constant 0 : i32
      %dma_start3A_99 = arith.constant 0 : i32
      %dma_start3A_100 = tpu.memref_slice %arg9[%dma_start3A_98, %dma_start3A_99] : memref<80x128xf32, #tpu.memory_space<vmem>> -> memref<64x128xf32, #tpu.memory_space<vmem>>
      tpu.enqueue_dma source(%dma_start3A_100 : memref<64x128xf32, #tpu.memory_space<vmem>>) target(%dma_start3A_97 : memref<64x128xf32, #tpu.memory_space<vmem_shared>>) target_semaphore(%run_scoped3A : memref<!tpu.dma_semaphore, #tpu.memory_space<semaphore_mem>>)
      %dma_wait3A = arith.constant 0 : i32
      %dma_wait3A_101 = arith.constant 0 : i32
      %dma_wait3A_102 = tpu.memref_slice %arg9[%dma_wait3A, %dma_wait3A_101] : memref<80x128xf32, #tpu.memory_space<vmem>> -> memref<64x128xf32, #tpu.memory_space<vmem>>
      %dma_wait3A_103 = arith.constant 0 : i32
      %dma_wait3A_104 = tpu.memref_slice %arg10[%add3A_26, %dma_wait3A_103] : memref<10000x128xf32, #tpu.memory_space<vmem_shared>> -> memref<64x128xf32, #tpu.memory_space<vmem_shared>>
      %dma_wait3A_105 = arith.constant 0 : i32
      %dma_wait3A_106 = tpu.memref_slice %arg10[%add3A_26, %dma_wait3A_105] : memref<10000x128xf32, #tpu.memory_space<vmem_shared>> -> memref<64x128xf32, #tpu.memory_space<vmem_shared>>
      %dma_wait3A_107 = arith.constant 0 : i32
      %dma_wait3A_108 = arith.constant 0 : i32
      %dma_wait3A_109 = tpu.memref_slice %arg9[%dma_wait3A_107, %dma_wait3A_108] : memref<80x128xf32, #tpu.memory_space<vmem>> -> memref<64x128xf32, #tpu.memory_space<vmem>>
      tpu.wait_dma2 semaphore(%run_scoped3A : memref<!tpu.dma_semaphore, #tpu.memory_space<semaphore_mem>>) src(%dma_wait3A_109 : memref<64x128xf32, #tpu.memory_space<vmem>>) dst(%dma_wait3A_106 : memref<64x128xf32, #tpu.memory_space<vmem_shared>>)
      tpu.yield
    }) : () -> ()
    %eq3A = arith.constant 15 : i32
    %eq3A_27 = arith.cmpi eq, %arg1, %eq3A : i32
    %convert_element_type3A = arith.extui %eq3A_27 : i1 to i32
    %cond3A = arith.constant 0 : i32
    %cond3A_28 = arith.cmpi ne, %convert_element_type3A, %cond3A : i32
    scf.if %cond3A_28 {
      "tpu.region"() ({
        %run_scoped3A = tpu.sem_alloc : memref<!tpu.dma_semaphore, #tpu.memory_space<semaphore_mem>>
        %dma_start3A = arith.constant 0 : i32
        %dma_start3A_92 = arith.constant 0 : i32
        %dma_start3A_93 = tpu.memref_slice %arg9[%dma_start3A, %dma_start3A_92] : memref<80x128xf32, #tpu.memory_space<vmem>> -> memref<16x128xf32, #tpu.memory_space<vmem>>
        %dma_start3A_94 = arith.constant 9984 : i32
        %dma_start3A_95 = arith.constant 0 : i32
        %dma_start3A_96 = tpu.memref_slice %arg10[%dma_start3A_94, %dma_start3A_95] : memref<10000x128xf32, #tpu.memory_space<vmem_shared>> -> memref<16x128xf32, #tpu.memory_space<vmem_shared>>
        %dma_start3A_97 = arith.constant 9984 : i32
        %dma_start3A_98 = arith.constant 0 : i32
        %dma_start3A_99 = tpu.memref_slice %arg10[%dma_start3A_97, %dma_start3A_98] : memref<10000x128xf32, #tpu.memory_space<vmem_shared>> -> memref<16x128xf32, #tpu.memory_space<vmem_shared>>
        %dma_start3A_100 = arith.constant 0 : i32
        %dma_start3A_101 = arith.constant 0 : i32
        %dma_start3A_102 = tpu.memref_slice %arg9[%dma_start3A_100, %dma_start3A_101] : memref<80x128xf32, #tpu.memory_space<vmem>> -> memref<16x128xf32, #tpu.memory_space<vmem>>
        tpu.enqueue_dma source(%dma_start3A_102 : memref<16x128xf32, #tpu.memory_space<vmem>>) target(%dma_start3A_99 : memref<16x128xf32, #tpu.memory_space<vmem_shared>>) target_semaphore(%run_scoped3A : memref<!tpu.dma_semaphore, #tpu.memory_space<semaphore_mem>>)
        %dma_wait3A = arith.constant 0 : i32
        %dma_wait3A_103 = arith.constant 0 : i32
        %dma_wait3A_104 = tpu.memref_slice %arg9[%dma_wait3A, %dma_wait3A_103] : memref<80x128xf32, #tpu.memory_space<vmem>> -> memref<16x128xf32, #tpu.memory_space<vmem>>
        %dma_wait3A_105 = arith.constant 9984 : i32
        %dma_wait3A_106 = arith.constant 0 : i32
        %dma_wait3A_107 = tpu.memref_slice %arg10[%dma_wait3A_105, %dma_wait3A_106] : memref<10000x128xf32, #tpu.memory_space<vmem_shared>> -> memref<16x128xf32, #tpu.memory_space<vmem_shared>>
        %dma_wait3A_108 = arith.constant 9984 : i32
        %dma_wait3A_109 = arith.constant 0 : i32
        %dma_wait3A_110 = tpu.memref_slice %arg10[%dma_wait3A_108, %dma_wait3A_109] : memref<10000x128xf32, #tpu.memory_space<vmem_shared>> -> memref<16x128xf32, #tpu.memory_space<vmem_shared>>
        %dma_wait3A_111 = arith.constant 0 : i32
        %dma_wait3A_112 = arith.constant 0 : i32
        %dma_wait3A_113 = tpu.memref_slice %arg9[%dma_wait3A_111, %dma_wait3A_112] : memref<80x128xf32, #tpu.memory_space<vmem>> -> memref<16x128xf32, #tpu.memory_space<vmem>>
        tpu.wait_dma2 semaphore(%run_scoped3A : memref<!tpu.dma_semaphore, #tpu.memory_space<semaphore_mem>>) src(%dma_wait3A_113 : memref<16x128xf32, #tpu.memory_space<vmem>>) dst(%dma_wait3A_110 : memref<16x128xf32, #tpu.memory_space<vmem_shared>>)
        tpu.yield
      }) : () -> ()
    } else {
    }
    %barrier3A = arith.constant 0 : index
    tpu.barrier barrier_id(%barrier3A)
    %scan3A_29 = arith.constant 0 : i32
    %scan3A_30 = arith.constant 0 : i32
    %scan3A_31 = arith.constant 125 : i32
    %scan3A_32 = arith.addi %scan3A_30, %scan3A_31 : i32
    %scan3A_33 = arith.constant 1 : i32
    scf.for %scan3A_92 = %scan3A_30 to %scan3A_32 step %scan3A_33  : i32 {
      %mul3A_93 = arith.constant 80 : i32
      %mul3A_94 = arith.muli %scan3A_92, %mul3A_93 : i32
      %add3A_95 = arith.addi %mul3A_4, %mul3A_94 : i32
      "tpu.region"() ({
        %run_scoped3A = tpu.sem_alloc : memref<!tpu.dma_semaphore, #tpu.memory_space<semaphore_mem>>
        %dma_start3A_100 = tpu.memref_slice %arg3[%add3A_95] : memref<320000xi32, #tpu.memory_space<hbm>> -> memref<80xi32, #tpu.memory_space<hbm>>
        %dma_start3A_101 = tpu.memref_slice %arg3[%add3A_95] : memref<320000xi32, #tpu.memory_space<hbm>> -> memref<80xi32, #tpu.memory_space<hbm>>
        tpu.enqueue_dma source(%dma_start3A_101 : memref<80xi32, #tpu.memory_space<hbm>>) target(%arg7 : memref<80xi32, #tpu.memory_space<vmem>>) target_semaphore(%run_scoped3A : memref<!tpu.dma_semaphore, #tpu.memory_space<semaphore_mem>>)
        %dma_wait3A_102 = tpu.memref_slice %arg3[%add3A_95] : memref<320000xi32, #tpu.memory_space<hbm>> -> memref<80xi32, #tpu.memory_space<hbm>>
        %dma_wait3A_103 = tpu.memref_slice %arg3[%add3A_95] : memref<320000xi32, #tpu.memory_space<hbm>> -> memref<80xi32, #tpu.memory_space<hbm>>
        tpu.wait_dma2 semaphore(%run_scoped3A : memref<!tpu.dma_semaphore, #tpu.memory_space<semaphore_mem>>) src(%dma_wait3A_103 : memref<80xi32, #tpu.memory_space<hbm>>) dst(%arg7 : memref<80xi32, #tpu.memory_space<vmem>>)
        tpu.yield
      }) : () -> ()
      "tpu.region"() ({
        %run_scoped3A = tpu.sem_alloc : memref<!tpu.dma_semaphore, #tpu.memory_space<semaphore_mem>>
        %dma_start3A_100 = tpu.memref_slice %arg4[%add3A_95] : memref<320000xi32, #tpu.memory_space<hbm>> -> memref<80xi32, #tpu.memory_space<hbm>>
        %dma_start3A_101 = tpu.memref_slice %arg4[%add3A_95] : memref<320000xi32, #tpu.memory_space<hbm>> -> memref<80xi32, #tpu.memory_space<hbm>>
        tpu.enqueue_dma source(%dma_start3A_101 : memref<80xi32, #tpu.memory_space<hbm>>) target(%arg8 : memref<80xi32, #tpu.memory_space<vmem>>) target_semaphore(%run_scoped3A : memref<!tpu.dma_semaphore, #tpu.memory_space<semaphore_mem>>)
        %dma_wait3A_102 = tpu.memref_slice %arg4[%add3A_95] : memref<320000xi32, #tpu.memory_space<hbm>> -> memref<80xi32, #tpu.memory_space<hbm>>
        %dma_wait3A_103 = tpu.memref_slice %arg4[%add3A_95] : memref<320000xi32, #tpu.memory_space<hbm>> -> memref<80xi32, #tpu.memory_space<hbm>>
        tpu.wait_dma2 semaphore(%run_scoped3A : memref<!tpu.dma_semaphore, #tpu.memory_space<semaphore_mem>>) src(%dma_wait3A_103 : memref<80xi32, #tpu.memory_space<hbm>>) dst(%arg8 : memref<80xi32, #tpu.memory_space<vmem>>)
        tpu.yield
      }) : () -> ()
      %dma_start3A = arith.constant 0 : i32
      %dma_start3A_96 = arith.constant 0 : i32
      %dma_start3A_97 = tpu.memref_slice %arg2[%dma_start3A, %dma_start3A_96] : memref<10000x128xf32, #tpu.memory_space<hbm>> -> memref<10000x128xf32, #tpu.memory_space<hbm>>
      tpu.enqueue_indirect_dma source(%dma_start3A_97 : memref<10000x128xf32, #tpu.memory_space<hbm>>) target(%arg9 : memref<80x128xf32, #tpu.memory_space<vmem>>) offsets(%arg7 : memref<80xi32, #tpu.memory_space<vmem>>) semaphore(%arg11 : memref<!tpu.dma_semaphore, #tpu.memory_space<semaphore_mem>>)
      %dma_wait3A = arith.constant 0 : i32
      %dma_wait3A_98 = arith.constant 0 : i32
      %dma_wait3A_99 = tpu.memref_slice %arg2[%dma_wait3A, %dma_wait3A_98] : memref<10000x128xf32, #tpu.memory_space<hbm>> -> memref<10000x128xf32, #tpu.memory_space<hbm>>
      tpu.wait_indirect_dma semaphore(%arg11 : memref<!tpu.dma_semaphore, #tpu.memory_space<semaphore_mem>>) src(%dma_wait3A_99 : memref<10000x128xf32, #tpu.memory_space<hbm>>) dst(%arg9 : memref<80x128xf32, #tpu.memory_space<vmem>>)
      "tpu.region"() ({
        %run_scoped3A = tpu.sem_alloc : memref<!tpu.dma_semaphore, #tpu.memory_space<semaphore_mem>>
        %dma_start3A_100 = arith.constant 0 : i32
        %dma_start3A_101 = arith.constant 0 : i32
        %dma_start3A_102 = tpu.memref_slice %arg10[%dma_start3A_100, %dma_start3A_101] : memref<10000x128xf32, #tpu.memory_space<vmem_shared>> -> memref<10000x128xf32, #tpu.memory_space<vmem_shared>>
        tpu.enqueue_indirect_dma source(%arg9 : memref<80x128xf32, #tpu.memory_space<vmem>>) target(%dma_start3A_102 : memref<10000x128xf32, #tpu.memory_space<vmem_shared>>) offsets(%arg8 : memref<80xi32, #tpu.memory_space<vmem>>) semaphore(%run_scoped3A : memref<!tpu.dma_semaphore, #tpu.memory_space<semaphore_mem>>) {add = true}
        %dma_wait3A_103 = arith.constant 0 : i32
        %dma_wait3A_104 = arith.constant 0 : i32
        %dma_wait3A_105 = tpu.memref_slice %arg10[%dma_wait3A_103, %dma_wait3A_104] : memref<10000x128xf32, #tpu.memory_space<vmem_shared>> -> memref<10000x128xf32, #tpu.memory_space<vmem_shared>>
        tpu.wait_indirect_dma semaphore(%run_scoped3A : memref<!tpu.dma_semaphore, #tpu.memory_space<semaphore_mem>>) src(%arg9 : memref<80x128xf32, #tpu.memory_space<vmem>>) dst(%dma_wait3A_105 : memref<10000x128xf32, #tpu.memory_space<vmem_shared>>)
        tpu.yield
      }) : () -> ()
    }
    %scan3A_34 = arith.constant 125 : i32
    %barrier3A_35 = arith.constant 0 : index
    tpu.barrier barrier_id(%barrier3A_35)
    "tpu.region"() ({
      %run_scoped3A = tpu.sem_alloc : memref<!tpu.dma_semaphore, #tpu.memory_space<semaphore_mem>>
      %dma_start3A = arith.constant 0 : i32
      %dma_start3A_92 = tpu.memref_slice %arg5[%arg0, %mul3A_2, %dma_start3A] : memref<2x10000x128xf32, #tpu.memory_space<hbm>> -> memref<1x624x128xf32, #tpu.memory_space<hbm>>
      %dma_start3A_93 = tpu.memref_squeeze %dma_start3A_92 : memref<1x624x128xf32, #tpu.memory_space<hbm>> -> memref<624x128xf32, #tpu.memory_space<hbm>>
      %dma_start3A_94 = arith.constant 0 : i32
      %dma_start3A_95 = tpu.memref_slice %arg10[%mul3A_2, %dma_start3A_94] : memref<10000x128xf32, #tpu.memory_space<vmem_shared>> -> memref<624x128xf32, #tpu.memory_space<vmem_shared>>
      tpu.enqueue_dma source(%dma_start3A_95 : memref<624x128xf32, #tpu.memory_space<vmem_shared>>) target(%dma_start3A_93 : memref<624x128xf32, #tpu.memory_space<hbm>>) target_semaphore(%run_scoped3A : memref<!tpu.dma_semaphore, #tpu.memory_space<semaphore_mem>>)
      %dma_wait3A = arith.constant 0 : i32
      %dma_wait3A_96 = tpu.memref_slice %arg5[%arg0, %mul3A_2, %dma_wait3A] : memref<2x10000x128xf32, #tpu.memory_space<hbm>> -> memref<1x624x128xf32, #tpu.memory_space<hbm>>
      %dma_wait3A_97 = tpu.memref_squeeze %dma_wait3A_96 : memref<1x624x128xf32, #tpu.memory_space<hbm>> -> memref<624x128xf32, #tpu.memory_space<hbm>>
      %dma_wait3A_98 = arith.constant 0 : i32
      %dma_wait3A_99 = tpu.memref_slice %arg10[%mul3A_2, %dma_wait3A_98] : memref<10000x128xf32, #tpu.memory_space<vmem_shared>> -> memref<624x128xf32, #tpu.memory_space<vmem_shared>>
      tpu.wait_dma2 semaphore(%run_scoped3A : memref<!tpu.dma_semaphore, #tpu.memory_space<semaphore_mem>>) src(%dma_wait3A_99 : memref<624x128xf32, #tpu.memory_space<vmem_shared>>) dst(%dma_wait3A_97 : memref<624x128xf32, #tpu.memory_space<hbm>>)
      tpu.yield
    }) : () -> ()
    %eq3A_36 = arith.constant 15 : i32
    %eq3A_37 = arith.cmpi eq, %arg1, %eq3A_36 : i32
    %convert_element_type3A_38 = arith.extui %eq3A_37 : i1 to i32
    %cond3A_39 = arith.constant 0 : i32
    %cond3A_40 = arith.cmpi ne, %convert_element_type3A_38, %cond3A_39 : i32
    scf.if %cond3A_40 {
      "tpu.region"() ({
        %run_scoped3A = tpu.sem_alloc : memref<!tpu.dma_semaphore, #tpu.memory_space<semaphore_mem>>
        %dma_start3A = arith.constant 9984 : i32
        %dma_start3A_92 = arith.constant 0 : i32
        %dma_start3A_93 = tpu.memref_slice %arg5[%arg0, %dma_start3A, %dma_start3A_92] : memref<2x10000x128xf32, #tpu.memory_space<hbm>> -> memref<1x16x128xf32, #tpu.memory_space<hbm>>
        %dma_start3A_94 = tpu.memref_squeeze %dma_start3A_93 : memref<1x16x128xf32, #tpu.memory_space<hbm>> -> memref<16x128xf32, #tpu.memory_space<hbm>>
        %dma_start3A_95 = arith.constant 9984 : i32
        %dma_start3A_96 = arith.constant 0 : i32
        %dma_start3A_97 = tpu.memref_slice %arg10[%dma_start3A_95, %dma_start3A_96] : memref<10000x128xf32, #tpu.memory_space<vmem_shared>> -> memref<16x128xf32, #tpu.memory_space<vmem_shared>>
        tpu.enqueue_dma source(%dma_start3A_97 : memref<16x128xf32, #tpu.memory_space<vmem_shared>>) target(%dma_start3A_94 : memref<16x128xf32, #tpu.memory_space<hbm>>) target_semaphore(%run_scoped3A : memref<!tpu.dma_semaphore, #tpu.memory_space<semaphore_mem>>)
        %dma_wait3A = arith.constant 9984 : i32
        %dma_wait3A_98 = arith.constant 0 : i32
        %dma_wait3A_99 = tpu.memref_slice %arg5[%arg0, %dma_wait3A, %dma_wait3A_98] : memref<2x10000x128xf32, #tpu.memory_space<hbm>> -> memref<1x16x128xf32, #tpu.memory_space<hbm>>
        %dma_wait3A_100 = tpu.memref_squeeze %dma_wait3A_99 : memref<1x16x128xf32, #tpu.memory_space<hbm>> -> memref<16x128xf32, #tpu.memory_space<hbm>>
        %dma_wait3A_101 = arith.constant 9984 : i32
        %dma_wait3A_102 = arith.constant 0 : i32
        %dma_wait3A_103 = tpu.memref_slice %arg10[%dma_wait3A_101, %dma_wait3A_102] : memref<10000x128xf32, #tpu.memory_space<vmem_shared>> -> memref<16x128xf32, #tpu.memory_space<vmem_shared>>
        tpu.wait_dma2 semaphore(%run_scoped3A : memref<!tpu.dma_semaphore, #tpu.memory_space<semaphore_mem>>) src(%dma_wait3A_103 : memref<16x128xf32, #tpu.memory_space<vmem_shared>>) dst(%dma_wait3A_100 : memref<16x128xf32, #tpu.memory_space<hbm>>)
        tpu.yield
      }) : () -> ()
    } else {
    }
    %barrier3A_41 = arith.constant 0 : index
    tpu.barrier barrier_id(%barrier3A_41)
    %broadcast_in_dim3A_42 = arith.constant 0.000000e+00 : f32
    %broadcast_in_dim3A_43 = vector.broadcast %broadcast_in_dim3A_42 : f32 to vector<16xf32>
    %scan3A_44 = arith.constant 0 : i32
    %scan3A_45 = arith.constant 0 : i32
    %scan3A_46 = arith.constant 80 : i32
    %scan3A_47 = arith.addi %scan3A_45, %scan3A_46 : i32
    %scan3A_48 = arith.constant 1 : i32
    scf.for %scan3A_92 = %scan3A_45 to %scan3A_47 step %scan3A_48  : i32 {
      %swap3A = arith.index_cast %scan3A_92 : i32 to index
      %swap3A_93 = arith.constant 0 : index
      %swap3A_94 = tpu.vector_load %arg9[%swap3A, %swap3A_93] {strides = array<i32>} : memref<80x128xf32, #tpu.memory_space<vmem>>, vector<1x16xf32>,
      %swap3A_95 = vector.shape_cast %swap3A_94 : vector<1x16xf32> to vector<16xf32>
      %swap3A_96 = vector.shape_cast %broadcast_in_dim3A_43 : vector<16xf32> to vector<1x16xf32>
      tpu.vector_store %arg9[%swap3A, %swap3A_93], %swap3A_96 {strides = array<i32>} : memref<80x128xf32, #tpu.memory_space<vmem>>, vector<1x16xf32>,
      %swap3A_97 = arith.index_cast %scan3A_92 : i32 to index
      %swap3A_98 = arith.constant 16 : index
      %swap3A_99 = tpu.vector_load %arg9[%swap3A_97, %swap3A_98] {strides = array<i32>} : memref<80x128xf32, #tpu.memory_space<vmem>>, vector<1x16xf32>,
      %swap3A_100 = vector.shape_cast %swap3A_99 : vector<1x16xf32> to vector<16xf32>
      %swap3A_101 = vector.shape_cast %broadcast_in_dim3A_43 : vector<16xf32> to vector<1x16xf32>
      tpu.vector_store %arg9[%swap3A_97, %swap3A_98], %swap3A_101 {strides = array<i32>} : memref<80x128xf32, #tpu.memory_space<vmem>>, vector<1x16xf32>,
      %swap3A_102 = arith.index_cast %scan3A_92 : i32 to index
      %swap3A_103 = arith.constant 32 : index
      %swap3A_104 = tpu.vector_load %arg9[%swap3A_102, %swap3A_103] {strides = array<i32>} : memref<80x128xf32, #tpu.memory_space<vmem>>, vector<1x16xf32>,
      %swap3A_105 = vector.shape_cast %swap3A_104 : vector<1x16xf32> to vector<16xf32>
      %swap3A_106 = vector.shape_cast %broadcast_in_dim3A_43 : vector<16xf32> to vector<1x16xf32>
      tpu.vector_store %arg9[%swap3A_102, %swap3A_103], %swap3A_106 {strides = array<i32>} : memref<80x128xf32, #tpu.memory_space<vmem>>, vector<1x16xf32>,
      %swap3A_107 = arith.index_cast %scan3A_92 : i32 to index
      %swap3A_108 = arith.constant 48 : index
      %swap3A_109 = tpu.vector_load %arg9[%swap3A_107, %swap3A_108] {strides = array<i32>} : memref<80x128xf32, #tpu.memory_space<vmem>>, vector<1x16xf32>,
      %swap3A_110 = vector.shape_cast %swap3A_109 : vector<1x16xf32> to vector<16xf32>
      %swap3A_111 = vector.shape_cast %broadcast_in_dim3A_43 : vector<16xf32> to vector<1x16xf32>
      tpu.vector_store %arg9[%swap3A_107, %swap3A_108], %swap3A_111 {strides = array<i32>} : memref<80x128xf32, #tpu.memory_space<vmem>>, vector<1x16xf32>,
      %swap3A_112 = arith.index_cast %scan3A_92 : i32 to index
      %swap3A_113 = arith.constant 64 : index
      %swap3A_114 = tpu.vector_load %arg9[%swap3A_112, %swap3A_113] {strides = array<i32>} : memref<80x128xf32, #tpu.memory_space<vmem>>, vector<1x16xf32>,
      %swap3A_115 = vector.shape_cast %swap3A_114 : vector<1x16xf32> to vector<16xf32>
      %swap3A_116 = vector.shape_cast %broadcast_in_dim3A_43 : vector<16xf32> to vector<1x16xf32>
      tpu.vector_store %arg9[%swap3A_112, %swap3A_113], %swap3A_116 {strides = array<i32>} : memref<80x128xf32, #tpu.memory_space<vmem>>, vector<1x16xf32>,
      %swap3A_117 = arith.index_cast %scan3A_92 : i32 to index
      %swap3A_118 = arith.constant 80 : index
      %swap3A_119 = tpu.vector_load %arg9[%swap3A_117, %swap3A_118] {strides = array<i32>} : memref<80x128xf32, #tpu.memory_space<vmem>>, vector<1x16xf32>,
      %swap3A_120 = vector.shape_cast %swap3A_119 : vector<1x16xf32> to vector<16xf32>
      %swap3A_121 = vector.shape_cast %broadcast_in_dim3A_43 : vector<16xf32> to vector<1x16xf32>
      tpu.vector_store %arg9[%swap3A_117, %swap3A_118], %swap3A_121 {strides = array<i32>} : memref<80x128xf32, #tpu.memory_space<vmem>>, vector<1x16xf32>,
      %swap3A_122 = arith.index_cast %scan3A_92 : i32 to index
      %swap3A_123 = arith.constant 96 : index
      %swap3A_124 = tpu.vector_load %arg9[%swap3A_122, %swap3A_123] {strides = array<i32>} : memref<80x128xf32, #tpu.memory_space<vmem>>, vector<1x16xf32>,
      %swap3A_125 = vector.shape_cast %swap3A_124 : vector<1x16xf32> to vector<16xf32>
      %swap3A_126 = vector.shape_cast %broadcast_in_dim3A_43 : vector<16xf32> to vector<1x16xf32>
      tpu.vector_store %arg9[%swap3A_122, %swap3A_123], %swap3A_126 {strides = array<i32>} : memref<80x128xf32, #tpu.memory_space<vmem>>, vector<1x16xf32>,
      %swap3A_127 = arith.index_cast %scan3A_92 : i32 to index
      %swap3A_128 = arith.constant 112 : index
      %swap3A_129 = tpu.vector_load %arg9[%swap3A_127, %swap3A_128] {strides = array<i32>} : memref<80x128xf32, #tpu.memory_space<vmem>>, vector<1x16xf32>,
      %swap3A_130 = vector.shape_cast %swap3A_129 : vector<1x16xf32> to vector<16xf32>
      %swap3A_131 = vector.shape_cast %broadcast_in_dim3A_43 : vector<16xf32> to vector<1x16xf32>
      tpu.vector_store %arg9[%swap3A_127, %swap3A_128], %swap3A_131 {strides = array<i32>} : memref<80x128xf32, #tpu.memory_space<vmem>>, vector<1x16xf32>,
    }
    %scan3A_49 = arith.constant 80 : i32
    %add3A_50 = arith.constant 0 : i32
    %add3A_51 = arith.addi %mul3A_2, %add3A_50 : i32
    "tpu.region"() ({
      %run_scoped3A = tpu.sem_alloc : memref<!tpu.dma_semaphore, #tpu.memory_space<semaphore_mem>>
      %dma_start3A = arith.constant 0 : i32
      %dma_start3A_92 = tpu.memref_slice %arg10[%add3A_51, %dma_start3A] : memref<10000x128xf32, #tpu.memory_space<vmem_shared>> -> memref<80x128xf32, #tpu.memory_space<vmem_shared>>
      %dma_start3A_93 = arith.constant 0 : i32
      %dma_start3A_94 = tpu.memref_slice %arg10[%add3A_51, %dma_start3A_93] : memref<10000x128xf32, #tpu.memory_space<vmem_shared>> -> memref<80x128xf32, #tpu.memory_space<vmem_shared>>
      tpu.enqueue_dma source(%arg9 : memref<80x128xf32, #tpu.memory_space<vmem>>) target(%dma_start3A_94 : memref<80x128xf32, #tpu.memory_space<vmem_shared>>) target_semaphore(%run_scoped3A : memref<!tpu.dma_semaphore, #tpu.memory_space<semaphore_mem>>)
      %dma_wait3A = arith.constant 0 : i32
      %dma_wait3A_95 = tpu.memref_slice %arg10[%add3A_51, %dma_wait3A] : memref<10000x128xf32, #tpu.memory_space<vmem_shared>> -> memref<80x128xf32, #tpu.memory_space<vmem_shared>>
      %dma_wait3A_96 = arith.constant 0 : i32
      %dma_wait3A_97 = tpu.memref_slice %arg10[%add3A_51, %dma_wait3A_96] : memref<10000x128xf32, #tpu.memory_space<vmem_shared>> -> memref<80x128xf32, #tpu.memory_space<vmem_shared>>
      tpu.wait_dma2 semaphore(%run_scoped3A : memref<!tpu.dma_semaphore, #tpu.memory_space<semaphore_mem>>) src(%arg9 : memref<80x128xf32, #tpu.memory_space<vmem>>) dst(%dma_wait3A_97 : memref<80x128xf32, #tpu.memory_space<vmem_shared>>)
      tpu.yield
    }) : () -> ()
    %add3A_52 = arith.constant 80 : i32
    %add3A_53 = arith.addi %mul3A_2, %add3A_52 : i32
    "tpu.region"() ({
      %run_scoped3A = tpu.sem_alloc : memref<!tpu.dma_semaphore, #tpu.memory_space<semaphore_mem>>
      %dma_start3A = arith.constant 0 : i32
      %dma_start3A_92 = tpu.memref_slice %arg10[%add3A_53, %dma_start3A] : memref<10000x128xf32, #tpu.memory_space<vmem_shared>> -> memref<80x128xf32, #tpu.memory_space<vmem_shared>>
      %dma_start3A_93 = arith.constant 0 : i32
      %dma_start3A_94 = tpu.memref_slice %arg10[%add3A_53, %dma_start3A_93] : memref<10000x128xf32, #tpu.memory_space<vmem_shared>> -> memref<80x128xf32, #tpu.memory_space<vmem_shared>>
      tpu.enqueue_dma source(%arg9 : memref<80x128xf32, #tpu.memory_space<vmem>>) target(%dma_start3A_94 : memref<80x128xf32, #tpu.memory_space<vmem_shared>>) target_semaphore(%run_scoped3A : memref<!tpu.dma_semaphore, #tpu.memory_space<semaphore_mem>>)
      %dma_wait3A = arith.constant 0 : i32
      %dma_wait3A_95 = tpu.memref_slice %arg10[%add3A_53, %dma_wait3A] : memref<10000x128xf32, #tpu.memory_space<vmem_shared>> -> memref<80x128xf32, #tpu.memory_space<vmem_shared>>
      %dma_wait3A_96 = arith.constant 0 : i32
      %dma_wait3A_97 = tpu.memref_slice %arg10[%add3A_53, %dma_wait3A_96] : memref<10000x128xf32, #tpu.memory_space<vmem_shared>> -> memref<80x128xf32, #tpu.memory_space<vmem_shared>>
      tpu.wait_dma2 semaphore(%run_scoped3A : memref<!tpu.dma_semaphore, #tpu.memory_space<semaphore_mem>>) src(%arg9 : memref<80x128xf32, #tpu.memory_space<vmem>>) dst(%dma_wait3A_97 : memref<80x128xf32, #tpu.memory_space<vmem_shared>>)
      tpu.yield
    }) : () -> ()
    %add3A_54 = arith.constant 160 : i32
    %add3A_55 = arith.addi %mul3A_2, %add3A_54 : i32
    "tpu.region"() ({
      %run_scoped3A = tpu.sem_alloc : memref<!tpu.dma_semaphore, #tpu.memory_space<semaphore_mem>>
      %dma_start3A = arith.constant 0 : i32
      %dma_start3A_92 = tpu.memref_slice %arg10[%add3A_55, %dma_start3A] : memref<10000x128xf32, #tpu.memory_space<vmem_shared>> -> memref<80x128xf32, #tpu.memory_space<vmem_shared>>
      %dma_start3A_93 = arith.constant 0 : i32
      %dma_start3A_94 = tpu.memref_slice %arg10[%add3A_55, %dma_start3A_93] : memref<10000x128xf32, #tpu.memory_space<vmem_shared>> -> memref<80x128xf32, #tpu.memory_space<vmem_shared>>
      tpu.enqueue_dma source(%arg9 : memref<80x128xf32, #tpu.memory_space<vmem>>) target(%dma_start3A_94 : memref<80x128xf32, #tpu.memory_space<vmem_shared>>) target_semaphore(%run_scoped3A : memref<!tpu.dma_semaphore, #tpu.memory_space<semaphore_mem>>)
      %dma_wait3A = arith.constant 0 : i32
      %dma_wait3A_95 = tpu.memref_slice %arg10[%add3A_55, %dma_wait3A] : memref<10000x128xf32, #tpu.memory_space<vmem_shared>> -> memref<80x128xf32, #tpu.memory_space<vmem_shared>>
      %dma_wait3A_96 = arith.constant 0 : i32
      %dma_wait3A_97 = tpu.memref_slice %arg10[%add3A_55, %dma_wait3A_96] : memref<10000x128xf32, #tpu.memory_space<vmem_shared>> -> memref<80x128xf32, #tpu.memory_space<vmem_shared>>
      tpu.wait_dma2 semaphore(%run_scoped3A : memref<!tpu.dma_semaphore, #tpu.memory_space<semaphore_mem>>) src(%arg9 : memref<80x128xf32, #tpu.memory_space<vmem>>) dst(%dma_wait3A_97 : memref<80x128xf32, #tpu.memory_space<vmem_shared>>)
      tpu.yield
    }) : () -> ()
    %add3A_56 = arith.constant 240 : i32
    %add3A_57 = arith.addi %mul3A_2, %add3A_56 : i32
    "tpu.region"() ({
      %run_scoped3A = tpu.sem_alloc : memref<!tpu.dma_semaphore, #tpu.memory_space<semaphore_mem>>
      %dma_start3A = arith.constant 0 : i32
      %dma_start3A_92 = tpu.memref_slice %arg10[%add3A_57, %dma_start3A] : memref<10000x128xf32, #tpu.memory_space<vmem_shared>> -> memref<80x128xf32, #tpu.memory_space<vmem_shared>>
      %dma_start3A_93 = arith.constant 0 : i32
      %dma_start3A_94 = tpu.memref_slice %arg10[%add3A_57, %dma_start3A_93] : memref<10000x128xf32, #tpu.memory_space<vmem_shared>> -> memref<80x128xf32, #tpu.memory_space<vmem_shared>>
      tpu.enqueue_dma source(%arg9 : memref<80x128xf32, #tpu.memory_space<vmem>>) target(%dma_start3A_94 : memref<80x128xf32, #tpu.memory_space<vmem_shared>>) target_semaphore(%run_scoped3A : memref<!tpu.dma_semaphore, #tpu.memory_space<semaphore_mem>>)
      %dma_wait3A = arith.constant 0 : i32
      %dma_wait3A_95 = tpu.memref_slice %arg10[%add3A_57, %dma_wait3A] : memref<10000x128xf32, #tpu.memory_space<vmem_shared>> -> memref<80x128xf32, #tpu.memory_space<vmem_shared>>
      %dma_wait3A_96 = arith.constant 0 : i32
      %dma_wait3A_97 = tpu.memref_slice %arg10[%add3A_57, %dma_wait3A_96] : memref<10000x128xf32, #tpu.memory_space<vmem_shared>> -> memref<80x128xf32, #tpu.memory_space<vmem_shared>>
      tpu.wait_dma2 semaphore(%run_scoped3A : memref<!tpu.dma_semaphore, #tpu.memory_space<semaphore_mem>>) src(%arg9 : memref<80x128xf32, #tpu.memory_space<vmem>>) dst(%dma_wait3A_97 : memref<80x128xf32, #tpu.memory_space<vmem_shared>>)
      tpu.yield
    }) : () -> ()
    %add3A_58 = arith.constant 320 : i32
    %add3A_59 = arith.addi %mul3A_2, %add3A_58 : i32
    "tpu.region"() ({
      %run_scoped3A = tpu.sem_alloc : memref<!tpu.dma_semaphore, #tpu.memory_space<semaphore_mem>>
      %dma_start3A = arith.constant 0 : i32
      %dma_start3A_92 = tpu.memref_slice %arg10[%add3A_59, %dma_start3A] : memref<10000x128xf32, #tpu.memory_space<vmem_shared>> -> memref<80x128xf32, #tpu.memory_space<vmem_shared>>
      %dma_start3A_93 = arith.constant 0 : i32
      %dma_start3A_94 = tpu.memref_slice %arg10[%add3A_59, %dma_start3A_93] : memref<10000x128xf32, #tpu.memory_space<vmem_shared>> -> memref<80x128xf32, #tpu.memory_space<vmem_shared>>
      tpu.enqueue_dma source(%arg9 : memref<80x128xf32, #tpu.memory_space<vmem>>) target(%dma_start3A_94 : memref<80x128xf32, #tpu.memory_space<vmem_shared>>) target_semaphore(%run_scoped3A : memref<!tpu.dma_semaphore, #tpu.memory_space<semaphore_mem>>)
      %dma_wait3A = arith.constant 0 : i32
      %dma_wait3A_95 = tpu.memref_slice %arg10[%add3A_59, %dma_wait3A] : memref<10000x128xf32, #tpu.memory_space<vmem_shared>> -> memref<80x128xf32, #tpu.memory_space<vmem_shared>>
      %dma_wait3A_96 = arith.constant 0 : i32
      %dma_wait3A_97 = tpu.memref_slice %arg10[%add3A_59, %dma_wait3A_96] : memref<10000x128xf32, #tpu.memory_space<vmem_shared>> -> memref<80x128xf32, #tpu.memory_space<vmem_shared>>
      tpu.wait_dma2 semaphore(%run_scoped3A : memref<!tpu.dma_semaphore, #tpu.memory_space<semaphore_mem>>) src(%arg9 : memref<80x128xf32, #tpu.memory_space<vmem>>) dst(%dma_wait3A_97 : memref<80x128xf32, #tpu.memory_space<vmem_shared>>)
      tpu.yield
    }) : () -> ()
    %add3A_60 = arith.constant 400 : i32
    %add3A_61 = arith.addi %mul3A_2, %add3A_60 : i32
    "tpu.region"() ({
      %run_scoped3A = tpu.sem_alloc : memref<!tpu.dma_semaphore, #tpu.memory_space<semaphore_mem>>
      %dma_start3A = arith.constant 0 : i32
      %dma_start3A_92 = tpu.memref_slice %arg10[%add3A_61, %dma_start3A] : memref<10000x128xf32, #tpu.memory_space<vmem_shared>> -> memref<80x128xf32, #tpu.memory_space<vmem_shared>>
      %dma_start3A_93 = arith.constant 0 : i32
      %dma_start3A_94 = tpu.memref_slice %arg10[%add3A_61, %dma_start3A_93] : memref<10000x128xf32, #tpu.memory_space<vmem_shared>> -> memref<80x128xf32, #tpu.memory_space<vmem_shared>>
      tpu.enqueue_dma source(%arg9 : memref<80x128xf32, #tpu.memory_space<vmem>>) target(%dma_start3A_94 : memref<80x128xf32, #tpu.memory_space<vmem_shared>>) target_semaphore(%run_scoped3A : memref<!tpu.dma_semaphore, #tpu.memory_space<semaphore_mem>>)
      %dma_wait3A = arith.constant 0 : i32
      %dma_wait3A_95 = tpu.memref_slice %arg10[%add3A_61, %dma_wait3A] : memref<10000x128xf32, #tpu.memory_space<vmem_shared>> -> memref<80x128xf32, #tpu.memory_space<vmem_shared>>
      %dma_wait3A_96 = arith.constant 0 : i32
      %dma_wait3A_97 = tpu.memref_slice %arg10[%add3A_61, %dma_wait3A_96] : memref<10000x128xf32, #tpu.memory_space<vmem_shared>> -> memref<80x128xf32, #tpu.memory_space<vmem_shared>>
      tpu.wait_dma2 semaphore(%run_scoped3A : memref<!tpu.dma_semaphore, #tpu.memory_space<semaphore_mem>>) src(%arg9 : memref<80x128xf32, #tpu.memory_space<vmem>>) dst(%dma_wait3A_97 : memref<80x128xf32, #tpu.memory_space<vmem_shared>>)
      tpu.yield
    }) : () -> ()
    %add3A_62 = arith.constant 480 : i32
    %add3A_63 = arith.addi %mul3A_2, %add3A_62 : i32
    "tpu.region"() ({
      %run_scoped3A = tpu.sem_alloc : memref<!tpu.dma_semaphore, #tpu.memory_space<semaphore_mem>>
      %dma_start3A = arith.constant 0 : i32
      %dma_start3A_92 = tpu.memref_slice %arg10[%add3A_63, %dma_start3A] : memref<10000x128xf32, #tpu.memory_space<vmem_shared>> -> memref<80x128xf32, #tpu.memory_space<vmem_shared>>
      %dma_start3A_93 = arith.constant 0 : i32
      %dma_start3A_94 = tpu.memref_slice %arg10[%add3A_63, %dma_start3A_93] : memref<10000x128xf32, #tpu.memory_space<vmem_shared>> -> memref<80x128xf32, #tpu.memory_space<vmem_shared>>
      tpu.enqueue_dma source(%arg9 : memref<80x128xf32, #tpu.memory_space<vmem>>) target(%dma_start3A_94 : memref<80x128xf32, #tpu.memory_space<vmem_shared>>) target_semaphore(%run_scoped3A : memref<!tpu.dma_semaphore, #tpu.memory_space<semaphore_mem>>)
      %dma_wait3A = arith.constant 0 : i32
      %dma_wait3A_95 = tpu.memref_slice %arg10[%add3A_63, %dma_wait3A] : memref<10000x128xf32, #tpu.memory_space<vmem_shared>> -> memref<80x128xf32, #tpu.memory_space<vmem_shared>>
      %dma_wait3A_96 = arith.constant 0 : i32
      %dma_wait3A_97 = tpu.memref_slice %arg10[%add3A_63, %dma_wait3A_96] : memref<10000x128xf32, #tpu.memory_space<vmem_shared>> -> memref<80x128xf32, #tpu.memory_space<vmem_shared>>
      tpu.wait_dma2 semaphore(%run_scoped3A : memref<!tpu.dma_semaphore, #tpu.memory_space<semaphore_mem>>) src(%arg9 : memref<80x128xf32, #tpu.memory_space<vmem>>) dst(%dma_wait3A_97 : memref<80x128xf32, #tpu.memory_space<vmem_shared>>)
      tpu.yield
    }) : () -> ()
    %add3A_64 = arith.constant 560 : i32
    %add3A_65 = arith.addi %mul3A_2, %add3A_64 : i32
    "tpu.region"() ({
      %run_scoped3A = tpu.sem_alloc : memref<!tpu.dma_semaphore, #tpu.memory_space<semaphore_mem>>
      %dma_start3A = arith.constant 0 : i32
      %dma_start3A_92 = arith.constant 0 : i32
      %dma_start3A_93 = tpu.memref_slice %arg9[%dma_start3A, %dma_start3A_92] : memref<80x128xf32, #tpu.memory_space<vmem>> -> memref<64x128xf32, #tpu.memory_space<vmem>>
      %dma_start3A_94 = arith.constant 0 : i32
      %dma_start3A_95 = tpu.memref_slice %arg10[%add3A_65, %dma_start3A_94] : memref<10000x128xf32, #tpu.memory_space<vmem_shared>> -> memref<64x128xf32, #tpu.memory_space<vmem_shared>>
      %dma_start3A_96 = arith.constant 0 : i32
      %dma_start3A_97 = tpu.memref_slice %arg10[%add3A_65, %dma_start3A_96] : memref<10000x128xf32, #tpu.memory_space<vmem_shared>> -> memref<64x128xf32, #tpu.memory_space<vmem_shared>>
      %dma_start3A_98 = arith.constant 0 : i32
      %dma_start3A_99 = arith.constant 0 : i32
      %dma_start3A_100 = tpu.memref_slice %arg9[%dma_start3A_98, %dma_start3A_99] : memref<80x128xf32, #tpu.memory_space<vmem>> -> memref<64x128xf32, #tpu.memory_space<vmem>>
      tpu.enqueue_dma source(%dma_start3A_100 : memref<64x128xf32, #tpu.memory_space<vmem>>) target(%dma_start3A_97 : memref<64x128xf32, #tpu.memory_space<vmem_shared>>) target_semaphore(%run_scoped3A : memref<!tpu.dma_semaphore, #tpu.memory_space<semaphore_mem>>)
      %dma_wait3A = arith.constant 0 : i32
      %dma_wait3A_101 = arith.constant 0 : i32
      %dma_wait3A_102 = tpu.memref_slice %arg9[%dma_wait3A, %dma_wait3A_101] : memref<80x128xf32, #tpu.memory_space<vmem>> -> memref<64x128xf32, #tpu.memory_space<vmem>>
      %dma_wait3A_103 = arith.constant 0 : i32
      %dma_wait3A_104 = tpu.memref_slice %arg10[%add3A_65, %dma_wait3A_103] : memref<10000x128xf32, #tpu.memory_space<vmem_shared>> -> memref<64x128xf32, #tpu.memory_space<vmem_shared>>
      %dma_wait3A_105 = arith.constant 0 : i32
      %dma_wait3A_106 = tpu.memref_slice %arg10[%add3A_65, %dma_wait3A_105] : memref<10000x128xf32, #tpu.memory_space<vmem_shared>> -> memref<64x128xf32, #tpu.memory_space<vmem_shared>>
      %dma_wait3A_107 = arith.constant 0 : i32
      %dma_wait3A_108 = arith.constant 0 : i32
      %dma_wait3A_109 = tpu.memref_slice %arg9[%dma_wait3A_107, %dma_wait3A_108] : memref<80x128xf32, #tpu.memory_space<vmem>> -> memref<64x128xf32, #tpu.memory_space<vmem>>
      tpu.wait_dma2 semaphore(%run_scoped3A : memref<!tpu.dma_semaphore, #tpu.memory_space<semaphore_mem>>) src(%dma_wait3A_109 : memref<64x128xf32, #tpu.memory_space<vmem>>) dst(%dma_wait3A_106 : memref<64x128xf32, #tpu.memory_space<vmem_shared>>)
      tpu.yield
    }) : () -> ()
    %eq3A_66 = arith.constant 15 : i32
    %eq3A_67 = arith.cmpi eq, %arg1, %eq3A_66 : i32
    %convert_element_type3A_68 = arith.extui %eq3A_67 : i1 to i32
    %cond3A_69 = arith.constant 0 : i32
    %cond3A_70 = arith.cmpi ne, %convert_element_type3A_68, %cond3A_69 : i32
    scf.if %cond3A_70 {
      "tpu.region"() ({
        %run_scoped3A = tpu.sem_alloc : memref<!tpu.dma_semaphore, #tpu.memory_space<semaphore_mem>>
        %dma_start3A = arith.constant 0 : i32
        %dma_start3A_92 = arith.constant 0 : i32
        %dma_start3A_93 = tpu.memref_slice %arg9[%dma_start3A, %dma_start3A_92] : memref<80x128xf32, #tpu.memory_space<vmem>> -> memref<16x128xf32, #tpu.memory_space<vmem>>
        %dma_start3A_94 = arith.constant 9984 : i32
        %dma_start3A_95 = arith.constant 0 : i32
        %dma_start3A_96 = tpu.memref_slice %arg10[%dma_start3A_94, %dma_start3A_95] : memref<10000x128xf32, #tpu.memory_space<vmem_shared>> -> memref<16x128xf32, #tpu.memory_space<vmem_shared>>
        %dma_start3A_97 = arith.constant 9984 : i32
        %dma_start3A_98 = arith.constant 0 : i32
        %dma_start3A_99 = tpu.memref_slice %arg10[%dma_start3A_97, %dma_start3A_98] : memref<10000x128xf32, #tpu.memory_space<vmem_shared>> -> memref<16x128xf32, #tpu.memory_space<vmem_shared>>
        %dma_start3A_100 = arith.constant 0 : i32
        %dma_start3A_101 = arith.constant 0 : i32
        %dma_start3A_102 = tpu.memref_slice %arg9[%dma_start3A_100, %dma_start3A_101] : memref<80x128xf32, #tpu.memory_space<vmem>> -> memref<16x128xf32, #tpu.memory_space<vmem>>
        tpu.enqueue_dma source(%dma_start3A_102 : memref<16x128xf32, #tpu.memory_space<vmem>>) target(%dma_start3A_99 : memref<16x128xf32, #tpu.memory_space<vmem_shared>>) target_semaphore(%run_scoped3A : memref<!tpu.dma_semaphore, #tpu.memory_space<semaphore_mem>>)
        %dma_wait3A = arith.constant 0 : i32
        %dma_wait3A_103 = arith.constant 0 : i32
        %dma_wait3A_104 = tpu.memref_slice %arg9[%dma_wait3A, %dma_wait3A_103] : memref<80x128xf32, #tpu.memory_space<vmem>> -> memref<16x128xf32, #tpu.memory_space<vmem>>
        %dma_wait3A_105 = arith.constant 9984 : i32
        %dma_wait3A_106 = arith.constant 0 : i32
        %dma_wait3A_107 = tpu.memref_slice %arg10[%dma_wait3A_105, %dma_wait3A_106] : memref<10000x128xf32, #tpu.memory_space<vmem_shared>> -> memref<16x128xf32, #tpu.memory_space<vmem_shared>>
        %dma_wait3A_108 = arith.constant 9984 : i32
        %dma_wait3A_109 = arith.constant 0 : i32
        %dma_wait3A_110 = tpu.memref_slice %arg10[%dma_wait3A_108, %dma_wait3A_109] : memref<10000x128xf32, #tpu.memory_space<vmem_shared>> -> memref<16x128xf32, #tpu.memory_space<vmem_shared>>
        %dma_wait3A_111 = arith.constant 0 : i32
        %dma_wait3A_112 = arith.constant 0 : i32
        %dma_wait3A_113 = tpu.memref_slice %arg9[%dma_wait3A_111, %dma_wait3A_112] : memref<80x128xf32, #tpu.memory_space<vmem>> -> memref<16x128xf32, #tpu.memory_space<vmem>>
        tpu.wait_dma2 semaphore(%run_scoped3A : memref<!tpu.dma_semaphore, #tpu.memory_space<semaphore_mem>>) src(%dma_wait3A_113 : memref<16x128xf32, #tpu.memory_space<vmem>>) dst(%dma_wait3A_110 : memref<16x128xf32, #tpu.memory_space<vmem_shared>>)
        tpu.yield
      }) : () -> ()
    } else {
    }
    %barrier3A_71 = arith.constant 0 : index
    tpu.barrier barrier_id(%barrier3A_71)
    %broadcast_in_dim3A_72 = arith.constant 1.000000e+00 : f32
    %broadcast_in_dim3A_73 = vector.broadcast %broadcast_in_dim3A_72 : f32 to vector<16xf32>
    %scan3A_74 = arith.constant 0 : i32
    %scan3A_75 = arith.constant 0 : i32
    %scan3A_76 = arith.constant 80 : i32
    %scan3A_77 = arith.addi %scan3A_75, %scan3A_76 : i32
    %scan3A_78 = arith.constant 1 : i32
    scf.for %scan3A_92 = %scan3A_75 to %scan3A_77 step %scan3A_78  : i32 {
      %swap3A = arith.index_cast %scan3A_92 : i32 to index
      %swap3A_93 = arith.constant 0 : index
      %swap3A_94 = tpu.vector_load %arg9[%swap3A, %swap3A_93] {strides = array<i32>} : memref<80x128xf32, #tpu.memory_space<vmem>>, vector<1x16xf32>,
      %swap3A_95 = vector.shape_cast %swap3A_94 : vector<1x16xf32> to vector<16xf32>
      %swap3A_96 = vector.shape_cast %broadcast_in_dim3A_73 : vector<16xf32> to vector<1x16xf32>
      tpu.vector_store %arg9[%swap3A, %swap3A_93], %swap3A_96 {strides = array<i32>} : memref<80x128xf32, #tpu.memory_space<vmem>>, vector<1x16xf32>,
      %swap3A_97 = arith.index_cast %scan3A_92 : i32 to index
      %swap3A_98 = arith.constant 16 : index
      %swap3A_99 = tpu.vector_load %arg9[%swap3A_97, %swap3A_98] {strides = array<i32>} : memref<80x128xf32, #tpu.memory_space<vmem>>, vector<1x16xf32>,
      %swap3A_100 = vector.shape_cast %swap3A_99 : vector<1x16xf32> to vector<16xf32>
      %swap3A_101 = vector.shape_cast %broadcast_in_dim3A_73 : vector<16xf32> to vector<1x16xf32>
      tpu.vector_store %arg9[%swap3A_97, %swap3A_98], %swap3A_101 {strides = array<i32>} : memref<80x128xf32, #tpu.memory_space<vmem>>, vector<1x16xf32>,
      %swap3A_102 = arith.index_cast %scan3A_92 : i32 to index
      %swap3A_103 = arith.constant 32 : index
      %swap3A_104 = tpu.vector_load %arg9[%swap3A_102, %swap3A_103] {strides = array<i32>} : memref<80x128xf32, #tpu.memory_space<vmem>>, vector<1x16xf32>,
      %swap3A_105 = vector.shape_cast %swap3A_104 : vector<1x16xf32> to vector<16xf32>
      %swap3A_106 = vector.shape_cast %broadcast_in_dim3A_73 : vector<16xf32> to vector<1x16xf32>
      tpu.vector_store %arg9[%swap3A_102, %swap3A_103], %swap3A_106 {strides = array<i32>} : memref<80x128xf32, #tpu.memory_space<vmem>>, vector<1x16xf32>,
      %swap3A_107 = arith.index_cast %scan3A_92 : i32 to index
      %swap3A_108 = arith.constant 48 : index
      %swap3A_109 = tpu.vector_load %arg9[%swap3A_107, %swap3A_108] {strides = array<i32>} : memref<80x128xf32, #tpu.memory_space<vmem>>, vector<1x16xf32>,
      %swap3A_110 = vector.shape_cast %swap3A_109 : vector<1x16xf32> to vector<16xf32>
      %swap3A_111 = vector.shape_cast %broadcast_in_dim3A_73 : vector<16xf32> to vector<1x16xf32>
      tpu.vector_store %arg9[%swap3A_107, %swap3A_108], %swap3A_111 {strides = array<i32>} : memref<80x128xf32, #tpu.memory_space<vmem>>, vector<1x16xf32>,
      %swap3A_112 = arith.index_cast %scan3A_92 : i32 to index
      %swap3A_113 = arith.constant 64 : index
      %swap3A_114 = tpu.vector_load %arg9[%swap3A_112, %swap3A_113] {strides = array<i32>} : memref<80x128xf32, #tpu.memory_space<vmem>>, vector<1x16xf32>,
      %swap3A_115 = vector.shape_cast %swap3A_114 : vector<1x16xf32> to vector<16xf32>
      %swap3A_116 = vector.shape_cast %broadcast_in_dim3A_73 : vector<16xf32> to vector<1x16xf32>
      tpu.vector_store %arg9[%swap3A_112, %swap3A_113], %swap3A_116 {strides = array<i32>} : memref<80x128xf32, #tpu.memory_space<vmem>>, vector<1x16xf32>,
      %swap3A_117 = arith.index_cast %scan3A_92 : i32 to index
      %swap3A_118 = arith.constant 80 : index
      %swap3A_119 = tpu.vector_load %arg9[%swap3A_117, %swap3A_118] {strides = array<i32>} : memref<80x128xf32, #tpu.memory_space<vmem>>, vector<1x16xf32>,
      %swap3A_120 = vector.shape_cast %swap3A_119 : vector<1x16xf32> to vector<16xf32>
      %swap3A_121 = vector.shape_cast %broadcast_in_dim3A_73 : vector<16xf32> to vector<1x16xf32>
      tpu.vector_store %arg9[%swap3A_117, %swap3A_118], %swap3A_121 {strides = array<i32>} : memref<80x128xf32, #tpu.memory_space<vmem>>, vector<1x16xf32>,
      %swap3A_122 = arith.index_cast %scan3A_92 : i32 to index
      %swap3A_123 = arith.constant 96 : index
      %swap3A_124 = tpu.vector_load %arg9[%swap3A_122, %swap3A_123] {strides = array<i32>} : memref<80x128xf32, #tpu.memory_space<vmem>>, vector<1x16xf32>,
      %swap3A_125 = vector.shape_cast %swap3A_124 : vector<1x16xf32> to vector<16xf32>
      %swap3A_126 = vector.shape_cast %broadcast_in_dim3A_73 : vector<16xf32> to vector<1x16xf32>
      tpu.vector_store %arg9[%swap3A_122, %swap3A_123], %swap3A_126 {strides = array<i32>} : memref<80x128xf32, #tpu.memory_space<vmem>>, vector<1x16xf32>,
      %swap3A_127 = arith.index_cast %scan3A_92 : i32 to index
      %swap3A_128 = arith.constant 112 : index
      %swap3A_129 = tpu.vector_load %arg9[%swap3A_127, %swap3A_128] {strides = array<i32>} : memref<80x128xf32, #tpu.memory_space<vmem>>, vector<1x16xf32>,
      %swap3A_130 = vector.shape_cast %swap3A_129 : vector<1x16xf32> to vector<16xf32>
      %swap3A_131 = vector.shape_cast %broadcast_in_dim3A_73 : vector<16xf32> to vector<1x16xf32>
      tpu.vector_store %arg9[%swap3A_127, %swap3A_128], %swap3A_131 {strides = array<i32>} : memref<80x128xf32, #tpu.memory_space<vmem>>, vector<1x16xf32>,
    }
    %scan3A_79 = arith.constant 80 : i32
    %scan3A_80 = arith.constant 0 : i32
    %scan3A_81 = arith.constant 0 : i32
    %scan3A_82 = arith.constant 125 : i32
    %scan3A_83 = arith.addi %scan3A_81, %scan3A_82 : i32
    %scan3A_84 = arith.constant 1 : i32
    scf.for %scan3A_92 = %scan3A_81 to %scan3A_83 step %scan3A_84  : i32 {
      %mul3A_93 = arith.constant 80 : i32
      %mul3A_94 = arith.muli %scan3A_92, %mul3A_93 : i32
      %add3A_95 = arith.addi %mul3A_4, %mul3A_94 : i32
      "tpu.region"() ({
        %run_scoped3A = tpu.sem_alloc : memref<!tpu.dma_semaphore, #tpu.memory_space<semaphore_mem>>
        %dma_start3A = tpu.memref_slice %arg4[%add3A_95] : memref<320000xi32, #tpu.memory_space<hbm>> -> memref<80xi32, #tpu.memory_space<hbm>>
        %dma_start3A_96 = tpu.memref_slice %arg4[%add3A_95] : memref<320000xi32, #tpu.memory_space<hbm>> -> memref<80xi32, #tpu.memory_space<hbm>>
        tpu.enqueue_dma source(%dma_start3A_96 : memref<80xi32, #tpu.memory_space<hbm>>) target(%arg8 : memref<80xi32, #tpu.memory_space<vmem>>) target_semaphore(%run_scoped3A : memref<!tpu.dma_semaphore, #tpu.memory_space<semaphore_mem>>)
        %dma_wait3A = tpu.memref_slice %arg4[%add3A_95] : memref<320000xi32, #tpu.memory_space<hbm>> -> memref<80xi32, #tpu.memory_space<hbm>>
        %dma_wait3A_97 = tpu.memref_slice %arg4[%add3A_95] : memref<320000xi32, #tpu.memory_space<hbm>> -> memref<80xi32, #tpu.memory_space<hbm>>
        tpu.wait_dma2 semaphore(%run_scoped3A : memref<!tpu.dma_semaphore, #tpu.memory_space<semaphore_mem>>) src(%dma_wait3A_97 : memref<80xi32, #tpu.memory_space<hbm>>) dst(%arg8 : memref<80xi32, #tpu.memory_space<vmem>>)
        tpu.yield
      }) : () -> ()
      "tpu.region"() ({
        %run_scoped3A = tpu.sem_alloc : memref<!tpu.dma_semaphore, #tpu.memory_space<semaphore_mem>>
        %dma_start3A = arith.constant 0 : i32
        %dma_start3A_96 = arith.constant 0 : i32
        %dma_start3A_97 = tpu.memref_slice %arg10[%dma_start3A, %dma_start3A_96] : memref<10000x128xf32, #tpu.memory_space<vmem_shared>> -> memref<10000x128xf32, #tpu.memory_space<vmem_shared>>
        tpu.enqueue_indirect_dma source(%arg9 : memref<80x128xf32, #tpu.memory_space<vmem>>) target(%dma_start3A_97 : memref<10000x128xf32, #tpu.memory_space<vmem_shared>>) offsets(%arg8 : memref<80xi32, #tpu.memory_space<vmem>>) semaphore(%run_scoped3A : memref<!tpu.dma_semaphore, #tpu.memory_space<semaphore_mem>>) {add = true}
        %dma_wait3A = arith.constant 0 : i32
        %dma_wait3A_98 = arith.constant 0 : i32
        %dma_wait3A_99 = tpu.memref_slice %arg10[%dma_wait3A, %dma_wait3A_98] : memref<10000x128xf32, #tpu.memory_space<vmem_shared>> -> memref<10000x128xf32, #tpu.memory_space<vmem_shared>>
        tpu.wait_indirect_dma semaphore(%run_scoped3A : memref<!tpu.dma_semaphore, #tpu.memory_space<semaphore_mem>>) src(%arg9 : memref<80x128xf32, #tpu.memory_space<vmem>>) dst(%dma_wait3A_99 : memref<10000x128xf32, #tpu.memory_space<vmem_shared>>)
        tpu.yield
      }) : () -> ()
    }
    %scan3A_85 = arith.constant 125 : i32
    %barrier3A_86 = arith.constant 0 : index
    tpu.barrier barrier_id(%barrier3A_86)
    "tpu.region"() ({
      %run_scoped3A = tpu.sem_alloc : memref<!tpu.dma_semaphore, #tpu.memory_space<semaphore_mem>>
      %dma_start3A = arith.constant 0 : i32
      %dma_start3A_92 = tpu.memref_slice %arg6[%arg0, %mul3A_2, %dma_start3A] : memref<2x10000x128xf32, #tpu.memory_space<hbm>> -> memref<1x624x128xf32, #tpu.memory_space<hbm>>
      %dma_start3A_93 = tpu.memref_squeeze %dma_start3A_92 : memref<1x624x128xf32, #tpu.memory_space<hbm>> -> memref<624x128xf32, #tpu.memory_space<hbm>>
      %dma_start3A_94 = arith.constant 0 : i32
      %dma_start3A_95 = tpu.memref_slice %arg10[%mul3A_2, %dma_start3A_94] : memref<10000x128xf32, #tpu.memory_space<vmem_shared>> -> memref<624x128xf32, #tpu.memory_space<vmem_shared>>
      tpu.enqueue_dma source(%dma_start3A_95 : memref<624x128xf32, #tpu.memory_space<vmem_shared>>) target(%dma_start3A_93 : memref<624x128xf32, #tpu.memory_space<hbm>>) target_semaphore(%run_scoped3A : memref<!tpu.dma_semaphore, #tpu.memory_space<semaphore_mem>>)
      %dma_wait3A = arith.constant 0 : i32
      %dma_wait3A_96 = tpu.memref_slice %arg6[%arg0, %mul3A_2, %dma_wait3A] : memref<2x10000x128xf32, #tpu.memory_space<hbm>> -> memref<1x624x128xf32, #tpu.memory_space<hbm>>
      %dma_wait3A_97 = tpu.memref_squeeze %dma_wait3A_96 : memref<1x624x128xf32, #tpu.memory_space<hbm>> -> memref<624x128xf32, #tpu.memory_space<hbm>>
      %dma_wait3A_98 = arith.constant 0 : i32
      %dma_wait3A_99 = tpu.memref_slice %arg10[%mul3A_2, %dma_wait3A_98] : memref<10000x128xf32, #tpu.memory_space<vmem_shared>> -> memref<624x128xf32, #tpu.memory_space<vmem_shared>>
      tpu.wait_dma2 semaphore(%run_scoped3A : memref<!tpu.dma_semaphore, #tpu.memory_space<semaphore_mem>>) src(%dma_wait3A_99 : memref<624x128xf32, #tpu.memory_space<vmem_shared>>) dst(%dma_wait3A_97 : memref<624x128xf32, #tpu.memory_space<hbm>>)
      tpu.yield
    }) : () -> ()
    %eq3A_87 = arith.constant 15 : i32
    %eq3A_88 = arith.cmpi eq, %arg1, %eq3A_87 : i32
    %convert_element_type3A_89 = arith.extui %eq3A_88 : i1 to i32
    %cond3A_90 = arith.constant 0 : i32
    %cond3A_91 = arith.cmpi ne, %convert_element_type3A_89, %cond3A_90 : i32
    scf.if %cond3A_91 {
      "tpu.region"() ({
        %run_scoped3A = tpu.sem_alloc : memref<!tpu.dma_semaphore, #tpu.memory_space<semaphore_mem>>
        %dma_start3A = arith.constant 9984 : i32
        %dma_start3A_92 = arith.constant 0 : i32
        %dma_start3A_93 = tpu.memref_slice %arg6[%arg0, %dma_start3A, %dma_start3A_92] : memref<2x10000x128xf32, #tpu.memory_space<hbm>> -> memref<1x16x128xf32, #tpu.memory_space<hbm>>
        %dma_start3A_94 = tpu.memref_squeeze %dma_start3A_93 : memref<1x16x128xf32, #tpu.memory_space<hbm>> -> memref<16x128xf32, #tpu.memory_space<hbm>>
        %dma_start3A_95 = arith.constant 9984 : i32
        %dma_start3A_96 = arith.constant 0 : i32
        %dma_start3A_97 = tpu.memref_slice %arg10[%dma_start3A_95, %dma_start3A_96] : memref<10000x128xf32, #tpu.memory_space<vmem_shared>> -> memref<16x128xf32, #tpu.memory_space<vmem_shared>>
        tpu.enqueue_dma source(%dma_start3A_97 : memref<16x128xf32, #tpu.memory_space<vmem_shared>>) target(%dma_start3A_94 : memref<16x128xf32, #tpu.memory_space<hbm>>) target_semaphore(%run_scoped3A : memref<!tpu.dma_semaphore, #tpu.memory_space<semaphore_mem>>)
        %dma_wait3A = arith.constant 9984 : i32
        %dma_wait3A_98 = arith.constant 0 : i32
        %dma_wait3A_99 = tpu.memref_slice %arg6[%arg0, %dma_wait3A, %dma_wait3A_98] : memref<2x10000x128xf32, #tpu.memory_space<hbm>> -> memref<1x16x128xf32, #tpu.memory_space<hbm>>
        %dma_wait3A_100 = tpu.memref_squeeze %dma_wait3A_99 : memref<1x16x128xf32, #tpu.memory_space<hbm>> -> memref<16x128xf32, #tpu.memory_space<hbm>>
        %dma_wait3A_101 = arith.constant 9984 : i32
        %dma_wait3A_102 = arith.constant 0 : i32
        %dma_wait3A_103 = tpu.memref_slice %arg10[%dma_wait3A_101, %dma_wait3A_102] : memref<10000x128xf32, #tpu.memory_space<vmem_shared>> -> memref<16x128xf32, #tpu.memory_space<vmem_shared>>
        tpu.wait_dma2 semaphore(%run_scoped3A : memref<!tpu.dma_semaphore, #tpu.memory_space<semaphore_mem>>) src(%dma_wait3A_103 : memref<16x128xf32, #tpu.memory_space<vmem_shared>>) dst(%dma_wait3A_100 : memref<16x128xf32, #tpu.memory_space<hbm>>)
        tpu.yield
      }) : () -> ()
    } else {
    }
    return
  }
}

</mosaic_0001>

<sc_bundles>
// kernel: _sc_segment.3.cloned.1.call-start
scs
__scs_entry_jumppad:
0x0: {  	(pc) =	sbr.rel $0x88, $3  }
0x1: {  	(tag) =	ssettag $0x0;
	lr =	simm.s32 $0x1  }
0x2: {  	[smem:$0x3F9E] =	sst lr;
	_ =	strace $0xD0000000  }
0x3: {  	_ = 	snop  }
0x4: {  	_ = 	snop  }
0x5: {  	_ = 	snop  }
0x6: {  	_ = 	snop  }
0x7: {  	_ = 	snop  }
__scs_overlays_trampoline_lowered:
0x8: {  	[smem:$0x3FAD] =	sst s0  }
0x9: {  	[smem:$0x3FAE] =	sst s1  }
0xa: {  	[smem:$0x3FAF] =	sst s2  }
0xb: {  	[smem:$0x3FB0] =	sst s3  }
0xc: {  	[smem:$0x3FB1] =	sst s4  }
0xd: {  	[smem:$0x3FB2] =	sst s5  }
0xe: {  	[smem:$0x3FB3] =	sst s6  }
0xf: {  	[smem:$0x3FB4] =	sst s7  }
0x10: {  	[smem:$0x3FB5] =	sst s8  }
0x11: {  	[smem:$0x3FB6] =	sst s9;
	s0 =	simm.s32 @!p0 $0x0  }
0x12: {  	s1 =	sld [smem:$0x3F9C];
	s0 =	simm.s32 @p0 $0x1  }
0x13: {  	[smem:$0x3FB7] =	sst s0;
	s0 =	simm.s32 @!p1 $0x0  }
0x14: {  	s2 =	sld [smem:$0x3F9B];
	s0 =	simm.s32 @p1 $0x1  }
0x15: {  	[smem:$0x3FB8] =	sst s0;
	s0 =	simm.s32 @!p2 $0x0  }
0x16: {  	s3 =	sld [smem:$0x3FDB];
	s0 =	simm.s32 @p2 $0x1  }
0x17: {  	s4 =	simm.s32 $0x1BF5;
	[smem:$0x3FBA] =	sst s0  }
0x18: {  	s0 =	sld [smem:$0x3F9D];
	_ =	swait.ge [sflag:s4], $0x0  }
0x19: {  	s7 =	sld [smem:$0x3F9E]  }
0x1a: {  	s8 =	sadd.s32 $0xFFFFE003, lr  }
0x1b: {  	s9 =	sadd.s32 $0xFFFFFEF7, lr;
	s5 =	simm.s32 $0xFFFFFFFF;
	p2 =	slt.u32 s8, $0xFFFFF086  }
0x1c: {  	p1 =	slt.u32 s9, $0xF7A;
	s5 =	simm.s32 @!p2 $0x0  }
0x1d: {  	s5 =	simm.s32 @p1 $0x1;
	p0 =	seq.s32 s7, s2  }
0x1e: {  	s7 =	smul.u32 @!p0 $0xF7A, s2;
	p2 =	seq.s32 @!p0 s5, $0x0  }
0x1f: {  	s9 =	smul.u32 $0xF7A, s1;
	s8 =	simm.s32 @!p0 $0x1BF5;
	p2 =	por !p2, p0  }
0x20: {  	[sflag:s8] =	ssyncset.s32 @!p0 $0xFFFFF086;
	s6 =	sadd.s32 @!p0 s3, s7;
	s7 =	simm.s32 @!p0 $0x108  }
0x21: {  	s3 =	sadd.s32 s3, s9;
	s6 =	sadd.s32 @!p0 $0x88, s6;
	s7 =	simm.s32 @p2 $0x1082  }
0x22: {  	[simem:s7], [sflag:s8] =	dma.local @!p0 [hbm:s6], $0xF7A  }
0x23: {  	s9 =	sor.u32 $0xD0000000, s2;
	s6 =	simm.s32 $0x108;
	_ =	swait.ge @!p0 [sflag:s8], $0x0  }
0x24: {  	s3 =	sadd.s32 $0x88, s3;
	s6 =	simm.s32 @!p1 $0x1082;
	[sflag:s4] =	ssyncset.s32 $0xFFFFF086  }
0x25: {  	[simem:s6], [sflag:s4] =	dma.local [hbm:s3], $0xF7A  }
0x26: {  	[smem:$0x3F9E] =	sst s1;
	(tag) =	ssettag s2;
	_ =	strace s9  }
0x27: {  	s1 =	sld [smem:$0x3FAE]  }
0x28: {  	s2 =	sld [smem:$0x3FAF]  }
0x29: {  	s4 =	sld [smem:$0x3FB1]  }
0x2a: {  	p0 =	seq.s32 s5, $0x0;
	s5 =	sld [smem:$0x3FB2]  }
0x2b: {  	s6 =	sld [smem:$0x3FB3]  }
0x2c: {  	s7 =	sld [smem:$0x3FB4]  }
0x2d: {  	s3 =	simm.s32 $0x108;
	s8 =	sld [smem:$0x3FB5]  }
0x2e: {  	s3 =	simm.s32 @!p0 $0x1082;
	s9 =	sld [smem:$0x3FB6]  }
0x2f: {  	lr =	sadd.s32 s0, s3;
	s0 =	sld [smem:$0x3FAD]  }
0x30: {  	s3 =	sld [smem:$0x3FB0]  }
0x31: {  	[smem:$0x3FB9] =	sst s10  }
0x32: {  	s10 =	sld [smem:$0x3FB7];
	_ =	sdelay $0x3  }
0x33: {  	p0 =	seq.s32 s10, $0x1;
	s10 =	sld [smem:$0x3FB9];
	_ =	sdelay $0x3  }
0x34: {  	[smem:$0x3FB9] =	sst s10  }
0x35: {  	s10 =	sld [smem:$0x3FB8];
	_ =	sdelay $0x3  }
0x36: {  	p1 =	seq.s32 s10, $0x1;
	s10 =	sld [smem:$0x3FB9];
	_ =	sdelay $0x3  }
0x37: {  	[smem:$0x3FB9] =	sst s10  }
0x38: {  	s10 =	sld [smem:$0x3FBA]  }
0x39: {  	_ = 	snop;
	(pc) =	sbr.ind lr, $3  }
0x3a: {  	_ = 	snop  }
0x3b: {  	_ = 	snop  }
0x3c: {  	p2 =	seq.s32 s10, $0x1;
	s10 =	sld [smem:$0x3FB9]  }
0x3d: {  	_ =	shalt  }
0x3e: {  	_ =	shalt  }
0x3f: {  	_ =	shalt  }
0x40: {  	_ =	shalt  }
0x41: {  	_ =	shalt  }
0x42: {  	_ =	shalt  }
0x43: {  	_ =	shalt  }
0x44: {  	_ =	shalt  }
0x45: {  	_ =	shalt  }
0x46: {  	_ =	shalt  }
0x47: {  	_ =	shalt  }
0x48: {  	_ =	shalt  }
0x49: {  	_ =	shalt  }
0x4a: {  	_ =	shalt  }
0x4b: {  	_ =	shalt  }
0x4c: {  	_ =	shalt  }
0x4d: {  	_ =	shalt  }
0x4e: {  	_ =	shalt  }
0x4f: {  	_ =	shalt  }
0x50: {  	_ =	shalt  }
0x51: {  	_ =	shalt  }
0x52: {  	_ =	shalt  }
0x53: {  	_ =	shalt  }
0x54: {  	_ =	shalt  }
0x55: {  	_ =	shalt  }
0x56: {  	_ =	shalt  }
0x57: {  	_ =	shalt  }
0x58: {  	_ =	shalt  }
0x59: {  	_ =	shalt  }
0x5a: {  	_ =	shalt  }
0x5b: {  	_ =	shalt  }
0x5c: {  	_ =	shalt  }
0x5d: {  	_ =	shalt  }
0x5e: {  	_ =	shalt  }
0x5f: {  	_ =	shalt  }
0x60: {  	_ =	shalt  }
0x61: {  	_ =	shalt  }
0x62: {  	_ =	shalt  }
0x63: {  	_ =	shalt  }
0x64: {  	_ =	shalt  }
0x65: {  	_ =	shalt  }
0x66: {  	_ =	shalt  }
0x67: {  	_ =	shalt  }
0x68: {  	_ =	shalt  }
0x69: {  	_ =	shalt  }
0x6a: {  	_ =	shalt  }
0x6b: {  	_ =	shalt  }
0x6c: {  	_ =	shalt  }
0x6d: {  	_ =	shalt  }
0x6e: {  	_ =	shalt  }
0x6f: {  	_ =	shalt  }
0x70: {  	_ =	shalt  }
0x71: {  	_ =	shalt  }
0x72: {  	_ =	shalt  }
0x73: {  	_ =	shalt  }
0x74: {  	_ =	shalt  }
0x75: {  	_ =	shalt  }
0x76: {  	_ =	shalt  }
0x77: {  	_ =	shalt  }
0x78: {  	_ =	shalt  }
0x79: {  	_ =	shalt  }
0x7a: {  	_ =	shalt  }
0x7b: {  	_ =	shalt  }
0x7c: {  	_ =	shalt  }
0x7d: {  	_ =	shalt  }
0x7e: {  	_ =	shalt  }
0x7f: {  	_ =	shalt  }
0x80: {  	_ =	shalt  }
0x81: {  	_ =	shalt  }
0x82: {  	_ =	shalt  }
0x83: {  	_ =	shalt  }
0x84: {  	_ =	shalt  }
0x85: {  	_ =	shalt  }
0x86: {  	_ =	shalt  }
0x87: {  	_ =	shalt  }
.Lfunc_end0:
.L_simem_size_0:
called_computation_lowered:
.L_overlay_start_0:
0x88: {  	s2 =	sld [smem:$0x3FD9]  }
0x89: {  	s3 =	sld [smem:$0x3FFE];
	_ =	sdelay $0x1  }
0x8a: {  	s1 =	srdreg.scid  }
0x8b: {  	s0 =	sand.u32 $0x1, s1  }
0x8c: {  	s15 =	sshll.u32 s0, $0xA;
	s2 =	sadd.s32 s3, s2  }
0x8d: {  	s2 =	sadd.s32 s2, s15  }
0x8e: {  	[smem:$0x3FC5] =	sst s2  }
0x8f: {  	_ = 	snop  }
0x90: {  	s2 =	sld [smem:$0x3FD0]  }
0x91: {  	s16 =	sld [smem:$0x3FC9]  }
0x92: {  	s4 =	sld [smem:$0x3FC8]  }
0x93: {  	s6 =	simm.s32 $0xA;
	s7 =	simm.s32 $0x10;
	s5 =	sld [smem:$0x3FC7]  }
0x94: {  	[smem:s7], [sflag:s6] =	dma.local [hbm:s2], $0x1  }
0x95: {  	_ =	swait.eq [sflag:s6], $0x1  }
0x96: {  	[sflag:s6] =	ssyncset.done $0x0  }
0x97: {  	s17 =	sld [smem:$0x10];
	[sflag:s6] =	ssyncadd.s32 $0xFFFFFFFF  }
0x98: {  	s18 =	sld [smem:$0x11];
	(tm) =	ssettm $0x1  }
0x99: {  	s19 =	sld [smem:$0x3FFB];
	_ =	sdelay $0x3  }
0x9a: {  	_ =	strace s19  }
0x9b: {  	s7 =	sld [smem:$0x3FFC];
	_ =	sdelay $0x3  }
0x9c: {  	_ =	strace s7  }
0x9d: {  	s7 =	sld [smem:$0x3FFD];
	_ =	sdelay $0x3  }
0x9e: {  	_ =	strace s7  }
0x9f: {  	_ =	strace $0x8FFFFFFF  }
0xa0: {  	s20 =	sld [smem:$0x3FDB];
	_ =	sdelay $0x1  }
0xa1: {  	s8 =	simm.s32 $_scs_section_size  }
0xa2: {  	s9 =	simm.s32 $_size__tile_overlayer_lowered;
	s10 =	simm.s32 $_tile_overlayer_lowered  }
0xa3: {  	s23 =	simm.s32 $0x1BFF;
	s22 =	sshll.u32 s10, $0x1;
	s7 =	sadd.s32 s8, s20  }
0xa4: {  	s11 =	simm.s32 $0x0;
	s21 =	sshll.u32 s9, $0x1;
	s9 =	sadd.s32 s22, s7  }
0xa5: {  	[timem:s11], [sflag:s23] =	dma.local [hbm:s9], s21  }
0xa6: {  	_ =	swait.ge [sflag:s23], s21  }
0xa7: {  	s8 =	ssub.s32 $0x0, s21;
	[sflag:s23] =	ssyncset.done $0x0  }
0xa8: {  	[sflag:s23] =	ssyncadd.s32 s8;
	_ =	sdelay $0x1  }
0xa9: {  	s24 =	simm.s32 $0x1B8B  }
0xaa: {  	_ =	swait.ge [sflag:s24], $0x1  }
0xab: {  	[sflag:s24] =	ssyncset.done $0x0  }
0xac: {  	s25 =	simm.s32 $0x1B8E;
	[sflag:s24] =	ssyncadd.s32 $0xFFFFFFFF  }
0xad: {  	s26 =	simm.s32 $execute0_lowered;
	[smem:$0x3FD2] =	sst s25  }
0xae: {  	s8 =	sshll.u32 s26, $0x1;
	_ =	strace $0x80000046;
	[dreg:$0x1] =	wrdreg $0xFFFFFFFF  }
0xaf: {  	s28 =	simm.s32 $_size_execute0_lowered;
	s7 =	sadd.s32 s7, s8;
	[dreg:$0x0] =	wrdreg $0x0  }
0xb0: {  	s8 =	sshll.u32 s28, $0x1;
	[dreg:$0x2] =	wrdreg s7  }
0xb1: {  	[dreg:$0x3] =	wrdreg s8  }
0xb2: {  	[dreg:$0x4] =	wrdreg $0xC0  }
0xb3: {  	_ =	task [dreg:s11], $0x5FFFF  }
0xb4: {  	[dreg:$0x1] =	wrdreg $0xFFFFFFFF  }
0xb5: {  	[dreg:$0x0] =	wrdreg $0x60  }
0xb6: {  	[dreg:$0x2] =	wrdreg s16  }
0xb7: {  	[dreg:$0x3] =	wrdreg s4  }
0xb8: {  	[dreg:$0x4] =	wrdreg s5  }
0xb9: {  	[dreg:$0x5] =	wrdreg s17  }
0xba: {  	[dreg:$0x6] =	wrdreg s18  }
0xbb: {  	[dreg:$0x7] =	wrdreg $0x29000  }
0xbc: {  	[dreg:$0x8] =	wrdreg $0x9  }
0xbd: {  	_ =	task.clear_ibuf [dreg:s11], $0x9FFFF;
	_ =	strace $0x90000046  }
0xbe: {  	s29 =	simm.s32 $0x9;
	_ =	strace $0x80000048  }
0xbf: {  	_ =	swait.ge [sflag:s29], $0x1  }
0xc0: {  	[sflag:s29] =	ssyncadd.s32 $0xFFFFFFFF  }
0xc1: {  	_ =	strace $0x90000048  }
0xc2: {  	_ =	sfence  }
0xc3: {  	s30 =	sld [smem:$0x0];
	_ =	sdelay $0x2  }
0xc4: {  	s31 =	sshll.u32 s1, $0xD;
	s1 =	sshrl.u32 s1, $0x2  }
0xc5: {  	s3 =	sand.u32 $0x4000, s31;
	s1 =	sadd.s32 s1, s30  }
0xc6: {  	s0 =	sor.u32 s3, s0;
	s1 =	sshll.u32 s1, $0x11  }
0xc7: {  	s0 =	sor.u32 s1, s0  }
0xc8: {  	s0 =	sadd.s32 $0x8F2B, s0  }
0xc9: {  	[sflag:s0] =	ssyncadd.remote.s32 $0x1  }
0xca: {  	_ =	sfence.sel $0xFFFF  }
0xcb: {  	[dreg:$0x0] =	wrdreg $0xFFFFFFFF;
	(pc) =	sbr.abs _section_cstart, $3  }
0xcc: {  	[dreg:$0x1] =	wrdreg $0xFFFFFFFF  }
0xcd: {  	_ =	task.clear_ibuf [dreg:s11], $0x2FFFF;
	_ =	strace $0x9FFFFFFF  }
0xce: {  	(tm) =	ssettm $0x7FFFFFFF  }
0xcf: {  	_ =	shalt  }
tec
execute0_lowered:
.L_overlay_start_1:
0x0: {  	(tag) =	ssettag $0x1  }
0x1: {  	s0 =	rddreg [dreg:$0x0]  }
0x2: {  	s2 =	rddreg [dreg:$0x1]  }
0x3: {  	s19 =	rddreg [dreg:$0x2]  }
0x4: {  	s15 =	rddreg [dreg:$0x3]  }
0x5: {  	s17 =	rddreg [dreg:$0x4]  }
0x6: {  	s3 =	rddreg [dreg:$0x5]  }
0x7: {  	s1 =	stileid.u32;
	s5 =	srdreg.scid;
	s4 =	simm.s32 $0x0  }
0x8: {  	s23 =	simm.s32 $0x80;
	s24 =	simm.s32 $0x50;
	s6 =	smul.u32 $0x4E000, s1  }
0x9: {  	s25 =	simm.s32 $0x1;
	s26 =	simm.s32 $0x0;
	s16 =	smul.u32 $0x13800, s1  }
0xa: {  	s13 =	sand.u32 $0x1, s5;
	[smem:$0x7FF] =	sst s4;
	s20 =	smul.u32 $0x4E20, s1  }
0xb: {  	p0 =	sne.s32 s1, $0xF;
	s7 =	ssub.s32 $0x2, s13;
	s14 =	smul.u32 $0x138800, s13  }
0xc: {  	_ =	strace $0x80000047;
	s22 =	smul.u32 $0x2710, s13;
	s29 =	sshrl.u32 s6, $0x2  }
0xd: {  	s13 =	sadd.s32 $0x138000, s3;
	s30 =	sshrl.u32 s7, $0x1;
	s5 =	sadd.s32 s29, s3  }
0xe: {  	s18 =	ssub.s32 s7, s30;
	s16 =	sadd.s32 s16, s14;
	s21 =	sshrl.u32 s14, $0x3  }
0xf: {  	s20 =	sadd.s32 s22, s20;
	s22 =	simm.s32 $0x2;
	s6 =	sadd.s32 $0x2800, s5  }
0x10: {  	s7 =	sadd.s32 $0x5000, s5;
	s8 =	sadd.s32 $0x7800, s5;
	s9 =	sadd.s32 $0xA000, s5  }
0x11: {  	s10 =	sadd.s32 $0xC800, s5;
	s11 =	sadd.s32 $0xF000, s5;
	s12 =	sadd.s32 $0x11800, s5  }
0x12: {  	s16 =	sshrl.u32 s16, $0x3;
	s21 =	sadd.s32 $0x27000, s21;
	s18 =	smax.u32 s18, $0x1  }
0x13: {  	s20 =	sshrl.u32 s20, $0x3;
	s31 =	sadd.s32 s15, s16;
	s15 =	sadd.s32 s15, s21  }
0x14: {  	s16 =	sadd.s32 s17, s16;
	s17 =	sadd.s32 s17, s21;
	s19 =	sadd.s32 s20, s19  }
0x15: {  	v0 =	vimm.f32 $0.0e+00;
	v1 =	vimm.f32 $1.000000000e+00;
	s20 =	sadd.s32 s20, s2;
	s21 =	simm.s32 $0x100;
	[dreg:$0x7] =	wrdreg s31  }
.LBB2_1:
0x16: {  	s28 =	simm.s32 $0x0;
	s29 =	simm.s32 $0x200  }
.LBB2_2:
0x17: {  	p1 =	sne.s32 s29, $0x9E00;
	[tilespmem:s28+$0x170] =	vst v0  }
0x18: {  	[tilespmem:s28+$0x100] =	vst v0  }
0x19: {  	[tilespmem:s28+$0x110] =	vst v0  }
.Ltmp0:
0x1a: {  	[tilespmem:s28+$0x120] =	vst v0;
	(pc) =	sbr.rel @p1 .LBB2_2-.Ltmp0, $4  }
0x1b: {  	[tilespmem:s28+$0x130] =	vst v0  }
0x1c: {  	[tilespmem:s28+$0x140] =	vst v0  }
0x1d: {  	[tilespmem:s28+$0x150] =	vst v0  }
0x1e: {  	[tilespmem:s28+$0x160] =	vst v0;
	s28 =	sshra.s32 s29, $0x2;
	s29 =	sadd.s32 $0x200, s29  }
0x1f: {  	[tilespmem:s28+$0x170] =	vst v0  }
0x20: {  	[tilespmem:s28+$0x100] =	vst v0  }
0x21: {  	[tilespmem:s28+$0x110] =	vst v0  }
0x22: {  	[tilespmem:s28+$0x120] =	vst v0  }
0x23: {  	[tilespmem:s28+$0x130] =	vst v0  }
0x24: {  	[tilespmem:s28+$0x140] =	vst v0  }
0x25: {  	[tilespmem:s28+$0x150] =	vst v0  }
0x26: {  	[tilespmem:s28+$0x160] =	vst v0  }
0x27: {  	[spmem:s5] =	stream.linear.scatter [tilespmem:s21], [sflag:$0x2], $0x2800, $0x38;
	[tilespmem:$0x16180] =	vst v63  }
0x28: {  	_ =	swait.ge [sflag:s22], $0x2800  }
0x29: {  	[sflag:s22] =	ssyncset.done $0x0  }
0x2a: {  	[sflag:s22] =	ssyncadd.s32 $0xFFFFD800  }
0x2b: {  	[spmem:s6] =	stream.linear.scatter [tilespmem:s21], [sflag:$0x2], $0x2800, $0x38;
	[tilespmem:$0x16180] =	vst v63  }
0x2c: {  	_ =	swait.ge [sflag:s22], $0x2800  }
0x2d: {  	[sflag:s22] =	ssyncset.done $0x0  }
0x2e: {  	[sflag:s22] =	ssyncadd.s32 $0xFFFFD800  }
0x2f: {  	[spmem:s7] =	stream.linear.scatter [tilespmem:s21], [sflag:$0x2], $0x2800, $0x38;
	[tilespmem:$0x16180] =	vst v63  }
0x30: {  	_ =	swait.ge [sflag:s22], $0x2800  }
0x31: {  	[sflag:s22] =	ssyncset.done $0x0  }
0x32: {  	[sflag:s22] =	ssyncadd.s32 $0xFFFFD800  }
0x33: {  	[spmem:s8] =	stream.linear.scatter [tilespmem:s21], [sflag:$0x2], $0x2800, $0x38;
	[tilespmem:$0x16180] =	vst v63  }
0x34: {  	_ =	swait.ge [sflag:s22], $0x2800  }
0x35: {  	[sflag:s22] =	ssyncset.done $0x0  }
0x36: {  	[sflag:s22] =	ssyncadd.s32 $0xFFFFD800  }
0x37: {  	[spmem:s9] =	stream.linear.scatter [tilespmem:s21], [sflag:$0x2], $0x2800, $0x38;
	[tilespmem:$0x16180] =	vst v63  }
0x38: {  	_ =	swait.ge [sflag:s22], $0x2800  }
0x39: {  	[sflag:s22] =	ssyncset.done $0x0  }
0x3a: {  	[sflag:s22] =	ssyncadd.s32 $0xFFFFD800  }
0x3b: {  	[spmem:s10] =	stream.linear.scatter [tilespmem:s21], [sflag:$0x2], $0x2800, $0x38;
	[tilespmem:$0x16180] =	vst v63  }
0x3c: {  	_ =	swait.ge [sflag:s22], $0x2800  }
0x3d: {  	[sflag:s22] =	ssyncset.done $0x0  }
0x3e: {  	[sflag:s22] =	ssyncadd.s32 $0xFFFFD800  }
0x3f: {  	[spmem:s11] =	stream.linear.scatter [tilespmem:s21], [sflag:$0x2], $0x2800, $0x38;
	[tilespmem:$0x16180] =	vst v63  }
0x40: {  	_ =	swait.ge [sflag:s22], $0x2800  }
0x41: {  	[sflag:s22] =	ssyncset.done $0x0  }
0x42: {  	[sflag:s22] =	ssyncadd.s32 $0xFFFFD800  }
0x43: {  	[spmem:s12] =	stream.linear.scatter [tilespmem:s21], [sflag:$0x2], $0x2000, $0x38;
	[tilespmem:$0x16180] =	vst v63  }
0x44: {  	_ =	swait.ge [sflag:s22], $0x2000  }
0x45: {  	[sflag:s22] =	ssyncset.done $0x0  }
0x46: {  	s2 =	simm.s32 @!p0 $0x100;
	[sflag:s22] =	ssyncadd.s32 $0xFFFFE000  }
0x47: {  	[spmem:s13] =	stream.linear.scatter @!p0 [tilespmem:s2], [sflag:$0x2], $0x800, $0x38;
	[tilespmem:$0x16180] =	vst v63  }
0x48: {  	s2 =	simm.s32 @!p0 $0x2  }
0x49: {  	_ =	swait.ge @!p0 [sflag:s2], $0x800  }
0x4a: {  	[sflag:s2] =	ssyncset.done @!p0 $0x0  }
0x4b: {  	[sflag:s2] =	ssyncadd.s32 @!p0 $0xFFFFF800  }
0x4c: {  	s30 =	sadd.s32 $0x0, s20;
	[bflag:$0x0] =	sbarrier.arrive $0xFFFF  }
0x4d: {  	[tilespmem:s4], [sflag:$0x2] =	stream.linear.gather [hbm4b:s30+s4], $0x50, $0x38;
	[tilespmem:$0x16180] =	vst v63  }
0x4e: {  	_ =	swait.ge [sflag:s22], $0x50  }
0x4f: {  	[sflag:s22] =	ssyncset.done $0x0  }
0x50: {  	s31 =	sadd.s32 $0x0, s19;
	[sflag:s22] =	ssyncadd.s32 $0xFFFFFFB0  }
0x51: {  	[tilespmem:s23], [sflag:$0x2] =	stream.linear.gather [hbm4b:s31+s4], $0x50, $0x38;
	[tilespmem:$0x16180] =	vst v63  }
0x52: {  	_ =	swait.ge [sflag:s22], $0x50  }
0x53: {  	[sflag:s22] =	ssyncset.done $0x0  }
0x54: {  	[sflag:s22] =	ssyncadd.s32 $0xFFFFFFB0  }
0x55: {  	[tilespmem:s21], [sflag:$0x1] =	stream.indirect.gather [hbm4b:s0+s24], $0x80, s4, s24, $0xb8;
	[tilespmem:$0x16180] =	vst v63  }
0x56: {  	_ =	swait.ge [sflag:s25], $0x2800  }
0x57: {  	[sflag:s25] =	ssyncset.done $0x0  }
0x58: {  	[sflag:s25] =	ssyncadd.s32 $0xFFFFD800  }
0x59: {  	[spmem:s3] =	stream.indirect.scatter.add.f32 [tilespmem:s21], [sflag:$0x2], $0x80, s23, s24, $0xb8;
	[tilespmem:$0x16180] =	vst v63  }
0x5a: {  	_ =	swait.ge [sflag:s22], $0x2800  }
0x5b: {  	s28 =	simm.s32 $0xA;
	s2 =	simm.s32 $0x14;
	[sflag:s22] =	ssyncset.done $0x0  }
.LBB2_4:
0x5c: {  	s29 =	sadd.s32 s28, s20  }
0x5d: {  	[sflag:s22] =	ssyncadd.s32 $0xFFFFD800;
	s30 =	smov.u32 s2;
	s31 =	sadd.s32 $0xA, s2  }
0x5e: {  	[tilespmem:s4], [sflag:$0x2] =	stream.linear.gather [hbm4b:s29+s4], $0x50, $0x38;
	[tilespmem:$0x16180] =	vst v63  }
0x5f: {  	p1 =	sne.s32 s2, $0x4D8;
	_ =	swait.ge [sflag:s22], $0x50  }
0x60: {  	[sflag:s22] =	ssyncset.done $0x0  }
0x61: {  	s2 =	sadd.s32 s28, s19;
	s28 =	smov.u32 s30;
	[sflag:s22] =	ssyncadd.s32 $0xFFFFFFB0  }
0x62: {  	[tilespmem:s23], [sflag:$0x2] =	stream.linear.gather [hbm4b:s2+s4], $0x50, $0x38;
	[tilespmem:$0x16180] =	vst v63  }
0x63: {  	_ =	swait.ge [sflag:s22], $0x50  }
0x64: {  	[sflag:s22] =	ssyncset.done $0x0  }
0x65: {  	[sflag:s22] =	ssyncadd.s32 $0xFFFFFFB0  }
0x66: {  	[tilespmem:s21], [sflag:$0x1] =	stream.indirect.gather [hbm4b:s0+s24], $0x80, s4, s24, $0xb8;
	[tilespmem:$0x16180] =	vst v63  }
0x67: {  	_ =	swait.ge [sflag:s25], $0x2800  }
.Ltmp1:
0x68: {  	[sflag:s25] =	ssyncset.done $0x0;
	(pc) =	sbr.rel @p1 .LBB2_4-.Ltmp1, $4  }
0x69: {  	[sflag:s25] =	ssyncadd.s32 $0xFFFFD800  }
0x6a: {  	[spmem:s3] =	stream.indirect.scatter.add.f32 [tilespmem:s21], [sflag:$0x2], $0x80, s23, s24, $0xb8;
	[tilespmem:$0x16180] =	vst v63  }
0x6b: {  	_ =	swait.ge [sflag:s22], $0x2800  }
0x6c: {  	s2 =	smov.u32 s31;
	[sflag:s22] =	ssyncset.done $0x0  }
0x6d: {  	s2 =	sadd.s32 s28, s20;
	[sflag:s22] =	ssyncadd.s32 $0xFFFFD800  }
0x6e: {  	[tilespmem:s4], [sflag:$0x2] =	stream.linear.gather [hbm4b:s2+s4], $0x50, $0x38;
	[tilespmem:$0x16180] =	vst v63  }
0x6f: {  	_ =	swait.ge [sflag:s22], $0x50  }
0x70: {  	[sflag:s22] =	ssyncset.done $0x0  }
0x71: {  	s14 =	sadd.s32 s28, s19;
	[sflag:s22] =	ssyncadd.s32 $0xFFFFFFB0  }
0x72: {  	[tilespmem:s23], [sflag:$0x2] =	stream.linear.gather [hbm4b:s14+s4], $0x50, $0x38;
	[tilespmem:$0x16180] =	vst v63  }
0x73: {  	_ =	swait.ge [sflag:s22], $0x50  }
0x74: {  	[sflag:s22] =	ssyncset.done $0x0  }
0x75: {  	[sflag:s22] =	ssyncadd.s32 $0xFFFFFFB0  }
0x76: {  	[tilespmem:s21], [sflag:$0x1] =	stream.indirect.gather [hbm4b:s0+s24], $0x80, s4, s24, $0xb8;
	[tilespmem:$0x16180] =	vst v63  }
0x77: {  	_ =	swait.ge [sflag:s25], $0x2800  }
0x78: {  	[sflag:s25] =	ssyncset.done $0x0  }
0x79: {  	[sflag:s25] =	ssyncadd.s32 $0xFFFFD800  }
0x7a: {  	[spmem:s3] =	stream.indirect.scatter.add.f32 [tilespmem:s21], [sflag:$0x2], $0x80, s23, s24, $0xb8;
	[tilespmem:$0x16180] =	vst v63  }
0x7b: {  	_ =	swait.ge [sflag:s22], $0x2800  }
0x7c: {  	[sflag:s22] =	ssyncset.done $0x0  }
0x7d: {  	s1 =	stileid.u32;
	[sflag:s22] =	ssyncadd.s32 $0xFFFFD800  }
0x7e: {  	s1 =	sshll.u32 s1, $0x6;
	[bflag:$0x0] =	sbarrier.arrive $0xFFFF  }
0x7f: {  	s29 =	sshrl.u32 s5, $0x3;
	s28 =	sor.u32 $0x1C02, s1;
	s14 =	rddreg [dreg:$0x7]  }
0x80: {  	[hbm:s14], [sflag:s28] =	dma.local [spmem:s29], $0x2700  }
0x81: {  	_ =	swait.ge [sflag:s22], $0x2700  }
0x82: {  	[sflag:s22] =	ssyncset.done $0x0  }
0x83: {  	s30 =	sshrl.u32 @!p0 s13, $0x3;
	s2 =	simm.s32 @!p0 $0x2;
	[sflag:s22] =	ssyncadd.s32 $0xFFFFD900  }
0x84: {  	[hbm:s15], [sflag:s28] =	dma.local @!p0 [spmem:s30], $0x100  }
0x85: {  	_ =	swait.ge @!p0 [sflag:s2], $0x100  }
0x86: {  	[sflag:s2] =	ssyncset.done @!p0 $0x0  }
0x87: {  	[sflag:s2] =	ssyncadd.s32 @!p0 $0xFFFFFF00  }
0x88: {  	s31 =	simm.s32 $0x0;
	s2 =	simm.s32 $0x200;
	[bflag:$0x0] =	sbarrier.arrive $0xFFFF  }
.LBB2_6:
0x89: {  	p1 =	sne.s32 s2, $0x9E00;
	[tilespmem:s31+$0x170] =	vst v0  }
0x8a: {  	[tilespmem:s31+$0x100] =	vst v0  }
0x8b: {  	[tilespmem:s31+$0x110] =	vst v0  }
.Ltmp2:
0x8c: {  	[tilespmem:s31+$0x120] =	vst v0;
	(pc) =	sbr.rel @p1 .LBB2_6-.Ltmp2, $4  }
0x8d: {  	[tilespmem:s31+$0x130] =	vst v0  }
0x8e: {  	[tilespmem:s31+$0x140] =	vst v0  }
0x8f: {  	[tilespmem:s31+$0x150] =	vst v0  }
0x90: {  	[tilespmem:s31+$0x160] =	vst v0;
	s31 =	sshra.s32 s2, $0x2;
	s2 =	sadd.s32 $0x200, s2  }
0x91: {  	[tilespmem:s31+$0x170] =	vst v0  }
0x92: {  	[tilespmem:s31+$0x100] =	vst v0  }
0x93: {  	[tilespmem:s31+$0x110] =	vst v0  }
0x94: {  	[tilespmem:s31+$0x120] =	vst v0  }
0x95: {  	[tilespmem:s31+$0x130] =	vst v0  }
0x96: {  	[tilespmem:s31+$0x140] =	vst v0  }
0x97: {  	[tilespmem:s31+$0x150] =	vst v0  }
0x98: {  	[tilespmem:s31+$0x160] =	vst v0  }
0x99: {  	[spmem:s5] =	stream.linear.scatter [tilespmem:s21], [sflag:$0x2], $0x2800, $0x38;
	[tilespmem:$0x16180] =	vst v63  }
0x9a: {  	_ =	swait.ge [sflag:s22], $0x2800  }
0x9b: {  	[sflag:s22] =	ssyncset.done $0x0  }
0x9c: {  	[sflag:s22] =	ssyncadd.s32 $0xFFFFD800  }
0x9d: {  	[spmem:s6] =	stream.linear.scatter [tilespmem:s21], [sflag:$0x2], $0x2800, $0x38;
	[tilespmem:$0x16180] =	vst v63  }
0x9e: {  	_ =	swait.ge [sflag:s22], $0x2800  }
0x9f: {  	[sflag:s22] =	ssyncset.done $0x0  }
0xa0: {  	[sflag:s22] =	ssyncadd.s32 $0xFFFFD800  }
0xa1: {  	[spmem:s7] =	stream.linear.scatter [tilespmem:s21], [sflag:$0x2], $0x2800, $0x38;
	[tilespmem:$0x16180] =	vst v63  }
0xa2: {  	_ =	swait.ge [sflag:s22], $0x2800  }
0xa3: {  	[sflag:s22] =	ssyncset.done $0x0  }
0xa4: {  	[sflag:s22] =	ssyncadd.s32 $0xFFFFD800  }
0xa5: {  	[spmem:s8] =	stream.linear.scatter [tilespmem:s21], [sflag:$0x2], $0x2800, $0x38;
	[tilespmem:$0x16180] =	vst v63  }
0xa6: {  	_ =	swait.ge [sflag:s22], $0x2800  }
0xa7: {  	[sflag:s22] =	ssyncset.done $0x0  }
0xa8: {  	[sflag:s22] =	ssyncadd.s32 $0xFFFFD800  }
0xa9: {  	[spmem:s9] =	stream.linear.scatter [tilespmem:s21], [sflag:$0x2], $0x2800, $0x38;
	[tilespmem:$0x16180] =	vst v63  }
0xaa: {  	_ =	swait.ge [sflag:s22], $0x2800  }
0xab: {  	[sflag:s22] =	ssyncset.done $0x0  }
0xac: {  	[sflag:s22] =	ssyncadd.s32 $0xFFFFD800  }
0xad: {  	[spmem:s10] =	stream.linear.scatter [tilespmem:s21], [sflag:$0x2], $0x2800, $0x38;
	[tilespmem:$0x16180] =	vst v63  }
0xae: {  	_ =	swait.ge [sflag:s22], $0x2800  }
0xaf: {  	[sflag:s22] =	ssyncset.done $0x0  }
0xb0: {  	[sflag:s22] =	ssyncadd.s32 $0xFFFFD800  }
0xb1: {  	[spmem:s11] =	stream.linear.scatter [tilespmem:s21], [sflag:$0x2], $0x2800, $0x38;
	[tilespmem:$0x16180] =	vst v63  }
0xb2: {  	_ =	swait.ge [sflag:s22], $0x2800  }
0xb3: {  	[sflag:s22] =	ssyncset.done $0x0  }
0xb4: {  	[sflag:s22] =	ssyncadd.s32 $0xFFFFD800  }
0xb5: {  	[spmem:s12] =	stream.linear.scatter [tilespmem:s21], [sflag:$0x2], $0x2000, $0x38;
	[tilespmem:$0x16180] =	vst v63  }
0xb6: {  	_ =	swait.ge [sflag:s22], $0x2000  }
0xb7: {  	[sflag:s22] =	ssyncset.done $0x0  }
0xb8: {  	s2 =	simm.s32 @!p0 $0x100;
	[sflag:s22] =	ssyncadd.s32 $0xFFFFE000  }
0xb9: {  	[spmem:s13] =	stream.linear.scatter @!p0 [tilespmem:s2], [sflag:$0x2], $0x800, $0x38;
	[tilespmem:$0x16180] =	vst v63  }
0xba: {  	s2 =	simm.s32 @!p0 $0x2  }
0xbb: {  	_ =	swait.ge @!p0 [sflag:s2], $0x800  }
0xbc: {  	[sflag:s2] =	ssyncset.done @!p0 $0x0  }
0xbd: {  	[sflag:s2] =	ssyncadd.s32 @!p0 $0xFFFFF800  }
0xbe: {  	s31 =	simm.s32 $0x0;
	s2 =	simm.s32 $0x200;
	[bflag:$0x0] =	sbarrier.arrive $0xFFFF  }
.LBB2_8:
0xbf: {  	p1 =	sne.s32 s2, $0x9E00;
	[tilespmem:s31+$0x170] =	vst v1  }
0xc0: {  	[tilespmem:s31+$0x100] =	vst v1  }
0xc1: {  	[tilespmem:s31+$0x110] =	vst v1  }
.Ltmp3:
0xc2: {  	[tilespmem:s31+$0x120] =	vst v1;
	(pc) =	sbr.rel @p1 .LBB2_8-.Ltmp3, $4  }
0xc3: {  	[tilespmem:s31+$0x130] =	vst v1  }
0xc4: {  	[tilespmem:s31+$0x140] =	vst v1  }
0xc5: {  	[tilespmem:s31+$0x150] =	vst v1  }
0xc6: {  	[tilespmem:s31+$0x160] =	vst v1;
	s31 =	sshra.s32 s2, $0x2;
	s2 =	sadd.s32 $0x200, s2  }
0xc7: {  	[tilespmem:s31+$0x170] =	vst v1  }
0xc8: {  	[tilespmem:s31+$0x100] =	vst v1  }
0xc9: {  	[tilespmem:s31+$0x110] =	vst v1  }
0xca: {  	[tilespmem:s31+$0x120] =	vst v1  }
0xcb: {  	[tilespmem:s31+$0x130] =	vst v1  }
0xcc: {  	[tilespmem:s31+$0x140] =	vst v1  }
0xcd: {  	[tilespmem:s31+$0x150] =	vst v1  }
0xce: {  	[tilespmem:s31+$0x160] =	vst v1;
	s2 =	sadd.s32 $0x0, s19  }
0xcf: {  	[tilespmem:s23], [sflag:$0x2] =	stream.linear.gather [hbm4b:s2+s4], $0x50, $0x38;
	[tilespmem:$0x16180] =	vst v63  }
0xd0: {  	_ =	swait.ge [sflag:s22], $0x50  }
0xd1: {  	[sflag:s22] =	ssyncset.done $0x0  }
0xd2: {  	[sflag:s22] =	ssyncadd.s32 $0xFFFFFFB0  }
0xd3: {  	[spmem:s3] =	stream.indirect.scatter.add.f32 [tilespmem:s21], [sflag:$0x2], $0x80, s23, s24, $0xb8;
	[tilespmem:$0x16180] =	vst v63  }
0xd4: {  	_ =	swait.ge [sflag:s22], $0x2800  }
0xd5: {  	s31 =	simm.s32 $0xA;
	s2 =	simm.s32 $0x14;
	[sflag:s22] =	ssyncset.done $0x0  }
.LBB2_10:
0xd6: {  	s1 =	sadd.s32 s31, s19  }
0xd7: {  	[sflag:s22] =	ssyncadd.s32 $0xFFFFD800;
	s31 =	smov.u32 s2;
	s14 =	sadd.s32 $0xA, s2  }
0xd8: {  	[tilespmem:s23], [sflag:$0x2] =	stream.linear.gather [hbm4b:s1+s4], $0x50, $0x38;
	[tilespmem:$0x16180] =	vst v63  }
0xd9: {  	p1 =	sne.s32 s2, $0x4D8;
	_ =	swait.ge [sflag:s22], $0x50  }
.Ltmp4:
0xda: {  	[sflag:s22] =	ssyncset.done $0x0;
	(pc) =	sbr.rel @p1 .LBB2_10-.Ltmp4, $4  }
0xdb: {  	[sflag:s22] =	ssyncadd.s32 $0xFFFFFFB0  }
0xdc: {  	[spmem:s3] =	stream.indirect.scatter.add.f32 [tilespmem:s21], [sflag:$0x2], $0x80, s23, s24, $0xb8;
	[tilespmem:$0x16180] =	vst v63  }
0xdd: {  	_ =	swait.ge [sflag:s22], $0x2800  }
0xde: {  	s2 =	smov.u32 s14;
	[sflag:s22] =	ssyncset.done $0x0  }
0xdf: {  	s1 =	sadd.s32 s31, s19;
	[sflag:s22] =	ssyncadd.s32 $0xFFFFD800  }
0xe0: {  	[tilespmem:s23], [sflag:$0x2] =	stream.linear.gather [hbm4b:s1+s4], $0x50, $0x38;
	[tilespmem:$0x16180] =	vst v63  }
0xe1: {  	_ =	swait.ge [sflag:s22], $0x50  }
0xe2: {  	[sflag:s22] =	ssyncset.done $0x0  }
0xe3: {  	[sflag:s22] =	ssyncadd.s32 $0xFFFFFFB0  }
0xe4: {  	[spmem:s3] =	stream.indirect.scatter.add.f32 [tilespmem:s21], [sflag:$0x2], $0x80, s23, s24, $0xb8;
	[tilespmem:$0x16180] =	vst v63  }
0xe5: {  	_ =	swait.ge [sflag:s22], $0x2800  }
0xe6: {  	[sflag:s22] =	ssyncset.done $0x0  }
0xe7: {  	[sflag:s22] =	ssyncadd.s32 $0xFFFFD800  }
0xe8: {  	[bflag:$0x0] =	sbarrier.arrive $0xFFFF  }
0xe9: {  	[hbm:s16], [sflag:s28] =	dma.local [spmem:s29], $0x2700  }
0xea: {  	s26 =	sadd.s32 $0x1, s26;
	_ =	swait.ge [sflag:s22], $0x2700  }
0xeb: {  	p1 =	sne.s32 s26, s18;
	[sflag:s22] =	ssyncset.done $0x0  }
.Ltmp5:
0xec: {  	s1 =	simm.s32 @!p0 $0x2;
	[sflag:s22] =	ssyncadd.s32 $0xFFFFD900;
	(pc) =	sbr.rel @p1 .LBB2_1-.Ltmp5, $4  }
0xed: {  	[hbm:s17], [sflag:s28] =	dma.local @!p0 [spmem:s30], $0x100  }
0xee: {  	_ =	swait.ge @!p0 [sflag:s1], $0x100  }
0xef: {  	[sflag:s1] =	ssyncset.done @!p0 $0x0  }
0xf0: {  	[sflag:s1] =	ssyncadd.s32 @!p0 $0xFFFFFF00  }
0xf1: {  	_ =	sfence.sel $0x180000  }
0xf2: {  	[bflag:$0x0] =	sbarrier.arrive $0xFFFF  }
0xf3: {  	_ =	strace $0x90000047  }
0xf4: {  	s0 =	stileid.u32;
	[bflag:$0x2] =	sbarrier.arrive $0xFFFF  }
0xf5: {  	p0 =	sne.s32 s0, $0x0;
	s0 =	rddreg [dreg:$0x6]  }
0xf6: {  	s0 =	sadd.s32 @!p0 $0x100000, s0  }
0xf7: {  	[sflag:s0] =	ssyncadd.tile.s32 @!p0 $0x1;
	_ =	shalt  }
.Lfunc_end2:
_tile_overlayer_lowered:
.L_overlay_start_2:
0xf8: {  	(tag) =	ssettag $0x2  }
0xf9: {  	s0 =	rddreg [dreg:$0x0];
	s2 =	stileid.u32  }
0xfa: {  	s1 =	rddreg [dreg:$0x1];
	p0 =	sne.s32 s2, $0x0  }
0xfb: {  	s3 =	rddreg [dreg:$0x2];
	[bflag:$0x3] =	sbarrier.arrive $0xFFFF;
	s2 =	simm.s32 @!p0 $0x1C02  }
0xfc: {  	[timem:s3], [sflag:s2] =	dma.local @!p0 [hbm:s0], s1  }
0xfd: {  	s0 =	simm.s32 @!p0 $0x2  }
0xfe: {  	_ =	swait.ge @!p0 [sflag:s0], s1  }
0xff: {  	s1 =	ssub.s32 @!p0 $0x0, s1;
	[sflag:s0] =	ssyncset.done @!p0 $0x0  }
0x100: {  	[sflag:s0] =	ssyncadd.s32 @!p0 s1  }
0x101: {  	[bflag:$0x3] =	sbarrier.arrive $0xFFFF  }
0x102: {  	_ =	shalt  }

</sc_bundles>
